<compile_context>
chip_gen: v7x
topology: tpu7x:2x2x1
jax: 0.10.2.dev20260603
libtpu: 0.0.44.dev20260713+nightly
codegen_flags: <defaults>
</compile_context>

<pallas_src>
import jax
import jax.numpy as jnp
from jax import lax
from jax.experimental import pallas as pl
from jax.experimental.pallas import tpu as pltpu
from jax.experimental.pallas import tpu_sc as plsc

NUM_CAMERAS = 800
NUM_RAYS = 65536

NC = 2
NS = 16
L = 16
NW = NC * NS
RPT = NUM_RAYS // NW


def _table_kernel(c2w_ref, adj_ref, fx_ref, fy_ref, cx_ref, cy_ref, tab_ref):
    m = c2w_ref[...]
    r1 = [[m[0:1], m[1:2], m[2:3]],
          [m[4:5], m[5:6], m[6:7]],
          [m[8:9], m[9:10], m[10:11]]]
    t1 = [m[3:4], m[7:8], m[11:12]]
    a = adj_ref[...]
    u = [a[0:1], a[1:2], a[2:3]]
    wx, wy, wz = a[3:4], a[4:5], a[5:6]
    th = jnp.sqrt(wx * wx + wy * wy + wz * wz + 1e-12)
    inv = 1.0 / th
    ax, ay, az = wx * inv, wy * inv, wz * inv
    s = jnp.sin(th)
    c1 = 1.0 - jnp.cos(th)
    ro = [[1.0 - c1 * (ay * ay + az * az), -s * az + c1 * ax * ay, s * ay + c1 * ax * az],
          [s * az + c1 * ax * ay, 1.0 - c1 * (ax * ax + az * az), -s * ax + c1 * ay * az],
          [-s * ay + c1 * ax * az, s * ax + c1 * ay * az, 1.0 - c1 * (ax * ax + ay * ay)]]
    R = [[r1[i][0] * ro[0][j] + r1[i][1] * ro[1][j] + r1[i][2] * ro[2][j]
          for j in range(3)] for i in range(3)]
    t = [r1[i][0] * u[0] + r1[i][1] * u[1] + r1[i][2] * u[2] + t1[i]
         for i in range(3)]
    inv_fx = 1.0 / fx_ref[...].reshape(1, NUM_CAMERAS)
    inv_fy = 1.0 / fy_ref[...].reshape(1, NUM_CAMERAS)
    cx = cx_ref[...].reshape(1, NUM_CAMERAS)
    cy = cy_ref[...].reshape(1, NUM_CAMERAS)
    A = [R[i][0] * inv_fx for i in range(3)]
    B = [-R[i][1] * inv_fy for i in range(3)]
    C = [A[i] * (0.5 - cx) + B[i] * (0.5 - cy) - R[i][2] for i in range(3)]
    tab_ref[...] = jnp.concatenate(A + B + C + t, axis=0)


def _rays_body(tab_hbm, rid_hbm, out_o_hbm, out_d_hbm, tab_v, rid_v, oo_v, od_v):
    wid = lax.axis_index("s") * NC + lax.axis_index("c")
    base = wid * RPT
    pltpu.sync_copy(tab_hbm, tab_v)
    for k in range(3):
        pltpu.sync_copy(rid_hbm.at[pl.ds(k * NUM_RAYS + base, RPT)],
                        rid_v.at[pl.ds(k * RPT, RPT)])

    @plsc.parallel_loop(0, RPT, step=L, unroll=4)
    def step(s):
        c = rid_v[pl.ds(s, L)]
        yf = rid_v[pl.ds(RPT + s, L)].astype(jnp.float32)
        xf = rid_v[pl.ds(2 * RPT + s, L)].astype(jnp.float32)

        def g(row):
            return plsc.load_gather(tab_v, [c + (row * NUM_CAMERAS)])

        dx = g(0) * xf + g(3) * yf + g(6)
        dy = g(1) * xf + g(4) * yf + g(7)
        dz = g(2) * xf + g(5) * yf + g(8)
        n2 = dx * dx + dy * dy + dz * dz + 1e-12
        bits = plsc.bitcast(n2, jnp.int32)
        bits = jnp.int32(0x5F3759DF) - lax.shift_right_logical(bits, 1)
        r = plsc.bitcast(bits, jnp.float32)
        h = 0.5 * n2
        r = r * (1.5 - h * r * r)
        r = r * (1.5 - h * r * r)
        oo_v[pl.ds(s, L)] = g(9)
        oo_v[pl.ds(RPT + s, L)] = g(10)
        oo_v[pl.ds(2 * RPT + s, L)] = g(11)
        od_v[pl.ds(s, L)] = dx * r
        od_v[pl.ds(RPT + s, L)] = dy * r
        od_v[pl.ds(2 * RPT + s, L)] = dz * r

    for k in range(3):
        pltpu.sync_copy(oo_v.at[pl.ds(k * RPT, RPT)],
                        out_o_hbm.at[pl.ds(k * NUM_RAYS + base, RPT)])
        pltpu.sync_copy(od_v.at[pl.ds(k * RPT, RPT)],
                        out_d_hbm.at[pl.ds(k * NUM_RAYS + base, RPT)])


@jax.jit
def kernel(ray_indices, c2w, fx, fy, cx, cy, pose_adjustment):
    c2w_t = jnp.transpose(c2w.reshape(NUM_CAMERAS, 12))
    adj_t = jnp.transpose(pose_adjustment)
    table = pl.pallas_call(
        _table_kernel,
        out_shape=jax.ShapeDtypeStruct((12, NUM_CAMERAS), jnp.float32),
    )(c2w_t, adj_t, fx, fy, cx, cy)

    rid_soa = jnp.transpose(ray_indices.astype(jnp.int32)).reshape(3 * NUM_RAYS)
    tab_flat = table.reshape(12 * NUM_CAMERAS)

    mesh = plsc.VectorSubcoreMesh(core_axis_name="c", subcore_axis_name="s")
    rays = pl.kernel(
        _rays_body,
        mesh=mesh,
        compiler_params=pltpu.CompilerParams(needs_layout_passes=False),
        out_type=(
            jax.ShapeDtypeStruct((3 * NUM_RAYS,), jnp.float32),
            jax.ShapeDtypeStruct((3 * NUM_RAYS,), jnp.float32),
        ),
        scratch_types=[
            pltpu.VMEM((12 * NUM_CAMERAS,), jnp.float32),
            pltpu.VMEM((3 * RPT,), jnp.int32),
            pltpu.VMEM((3 * RPT,), jnp.float32),
            pltpu.VMEM((3 * RPT,), jnp.float32),
        ],
    )
    out_o, out_d = rays(tab_flat, rid_soa)
    origins = jnp.transpose(out_o.reshape(3, NUM_RAYS))
    directions = jnp.transpose(out_d.reshape(3, NUM_RAYS))
    return origins, directions

# --- scband reference (transcript-rebuilt; emitter-appended) ---
"""Pipeline reference for scband-ray-generator-56495999812104 (READ-ONLY COPY).

The authoritative reference and input builder live on the scoring server;
editing this copy changes nothing except your own understanding.
"""

import jax, jax.numpy as jnp
import numpy as np

NUM_CAMERAS = 800
H = 800
W = 800
NUM_RAYS = 65536


def _skew(v):
    z = jnp.zeros_like(v[:, 0])
    r0 = jnp.stack([z, -v[:, 2], v[:, 1]], axis=-1)
    r1 = jnp.stack([v[:, 2], z, -v[:, 0]], axis=-1)
    r2 = jnp.stack([-v[:, 1], v[:, 0], z], axis=-1)
    return jnp.stack([r0, r1, r2], axis=1)


def _exp_map_SO3xR3(tangent):
    # tangent: [N, 6] = (translation, log-rotation), nerfstudio SO3xR3 camera optimizer
    trans = tangent[:, :3]
    omega = tangent[:, 3:]
    theta = jnp.sqrt(jnp.sum(omega * omega, axis=-1, keepdims=True) + 1e-12)
    axis = omega / theta
    K = _skew(axis)
    s = jnp.sin(theta)[:, :, None]
    c = (1.0 - jnp.cos(theta))[:, :, None]
    I = jnp.eye(3, dtype=tangent.dtype)[None]
    R = I + s * K + c * (K @ K)
    return R, trans


def setup_inputs(seed: int = 0) -> dict:
    key = jax.random.key(seed)
    ks = jax.random.split(key, 8)
    ray_indices = jax.random.randint(ks[0], (NUM_RAYS, 3), 0, 800)
    eye = jnp.tile(jnp.eye(3, dtype=jnp.float32), (NUM_CAMERAS, 1, 1))
    rot_noise = 0.05 * jax.random.normal(ks[1], (NUM_CAMERAS, 3, 3), dtype=jnp.float32)
    trans = 2.0 * jax.random.normal(ks[2], (NUM_CAMERAS, 3, 1), dtype=jnp.float32)
    c2w = jnp.concatenate([eye + rot_noise, trans], axis=-1)
    fx = 600.0 + 400.0 * jax.random.uniform(ks[3], (NUM_CAMERAS,), dtype=jnp.float32)
    fy = 600.0 + 400.0 * jax.random.uniform(ks[4], (NUM_CAMERAS,), dtype=jnp.float32)
    cx = (W / 2.0) + 10.0 * jax.random.normal(ks[5], (NUM_CAMERAS,), dtype=jnp.float32)
    cy = (H / 2.0) + 10.0 * jax.random.normal(ks[6], (NUM_CAMERAS,), dtype=jnp.float32)
    pose_adjustment = 0.01 * jax.random.normal(ks[7], (NUM_CAMERAS, 6), dtype=jnp.float32)
    return {
        "ray_indices": ray_indices,
        "c2w": c2w,
        "fx": fx,
        "fy": fy,
        "cx": cx,
        "cy": cy,
        "pose_adjustment": pose_adjustment,
    }


def reference(ray_indices, c2w, fx, fy, cx, cy, pose_adjustment):
    # ray_indices: [num_rays, 3] = (camera_idx, row y, col x)
    c = ray_indices[:, 0]
    y = ray_indices[:, 1].astype(jnp.float32) + 0.5  # image_coords pixel-center offset
    x = ray_indices[:, 2].astype(jnp.float32) + 0.5
    # gather per-ray camera params
    fx_c = jnp.take(fx, c)
    fy_c = jnp.take(fy, c)
    cx_c = jnp.take(cx, c)
    cy_c = jnp.take(cy, c)
    c2w_c = jnp.take(c2w, c, axis=0)  # [N, 3, 4]
    adj_c = jnp.take(pose_adjustment, c, axis=0)  # [N, 6]
    # camera-space directions (nerfstudio convention: -y, -z)
    dirs_cam = jnp.stack(
        [(x - cx_c) / fx_c, -(y - cy_c) / fy_c, -jnp.ones_like(x)], axis=-1
    )  # [N, 3]
    # pose optimizer: camera_opt_to_camera = exp(tangent)
    R_opt, t_opt = _exp_map_SO3xR3(adj_c)
    # compose c2w with camera_opt_to_camera
    R1 = c2w_c[:, :, :3]
    t1 = c2w_c[:, :, 3]
    R = R1 @ R_opt
    t = jnp.squeeze(R1 @ t_opt[:, :, None], -1) + t1
    directions = jnp.squeeze(R @ dirs_cam[:, :, None], -1)
    norm = jnp.sqrt(jnp.sum(directions * directions, axis=-1, keepdims=True) + 1e-12)
    directions = directions / norm
    origins = t
    return origins, directions

if __name__ == "__main__":
    import jax
    _d = setup_inputs()
    print(jax.jit(kernel)(*tuple(_d.values())))

</pallas_src>

<mosaic_0001>
#map = affine_map<(d0, d1) -> (0)>
module attributes {stable_mosaic.version = 14 : i64} {
  func.func @_rays_body(%arg0: i32, %arg1: i32, %arg2: memref<9600xf32, #tpu.memory_space<hbm>>, %arg3: memref<196608xi32, #tpu.memory_space<hbm>>, %arg4: memref<196608xf32, #tpu.memory_space<hbm>>, %arg5: memref<196608xf32, #tpu.memory_space<hbm>>, %arg6: memref<9600xf32, #tpu.memory_space<vmem>>, %arg7: memref<6144xi32, #tpu.memory_space<vmem>>, %arg8: memref<6144xf32, #tpu.memory_space<vmem>>, %arg9: memref<6144xf32, #tpu.memory_space<vmem>>) attributes {dimension_semantics = [#tpu.dimension_semantics<core_parallel>, #tpu.dimension_semantics<subcore_parallel>], iteration_bounds = array<i64: 2, 16>, scalar_prefetch = 0 : i64, scratch_operands = 4 : i64, tpu.core_type = #tpu.core_type<sc_vector_subcore>, window_params = [{transform_indices = #map}, {transform_indices = #map}, {transform_indices = #map}, {transform_indices = #map}]} {
    %mul3A = arith.constant 2 : i32
    %mul3A_0 = arith.muli %arg1, %mul3A : i32
    %add3A = arith.addi %mul3A_0, %arg0 : i32
    %mul3A_1 = arith.constant 2048 : i32
    %mul3A_2 = arith.muli %add3A, %mul3A_1 : i32
    "tpu.region"() ({
      %run_scoped3A = tpu.sem_alloc : memref<!tpu.dma_semaphore, #tpu.memory_space<semaphore_mem>>
      tpu.enqueue_dma source(%arg2 : memref<9600xf32, #tpu.memory_space<hbm>>) target(%arg6 : memref<9600xf32, #tpu.memory_space<vmem>>) target_semaphore(%run_scoped3A : memref<!tpu.dma_semaphore, #tpu.memory_space<semaphore_mem>>)
      tpu.wait_dma2 semaphore(%run_scoped3A : memref<!tpu.dma_semaphore, #tpu.memory_space<semaphore_mem>>) src(%arg2 : memref<9600xf32, #tpu.memory_space<hbm>>) dst(%arg6 : memref<9600xf32, #tpu.memory_space<vmem>>)
      tpu.yield
    }) : () -> ()
    %add3A_3 = arith.constant 0 : i32
    %add3A_4 = arith.addi %add3A_3, %mul3A_2 : i32
    "tpu.region"() ({
      %run_scoped3A = tpu.sem_alloc : memref<!tpu.dma_semaphore, #tpu.memory_space<semaphore_mem>>
      %dma_start3A = arith.constant 0 : i32
      %dma_start3A_23 = tpu.memref_slice %arg7[%dma_start3A] : memref<6144xi32, #tpu.memory_space<vmem>> -> memref<2048xi32, #tpu.memory_space<vmem>>
      %dma_start3A_24 = tpu.memref_slice %arg3[%add3A_4] : memref<196608xi32, #tpu.memory_space<hbm>> -> memref<2048xi32, #tpu.memory_space<hbm>>
      %dma_start3A_25 = arith.constant 0 : i32
      %dma_start3A_26 = tpu.memref_slice %arg7[%dma_start3A_25] : memref<6144xi32, #tpu.memory_space<vmem>> -> memref<2048xi32, #tpu.memory_space<vmem>>
      %dma_start3A_27 = tpu.memref_slice %arg3[%add3A_4] : memref<196608xi32, #tpu.memory_space<hbm>> -> memref<2048xi32, #tpu.memory_space<hbm>>
      tpu.enqueue_dma source(%dma_start3A_27 : memref<2048xi32, #tpu.memory_space<hbm>>) target(%dma_start3A_26 : memref<2048xi32, #tpu.memory_space<vmem>>) target_semaphore(%run_scoped3A : memref<!tpu.dma_semaphore, #tpu.memory_space<semaphore_mem>>)
      %dma_wait3A = arith.constant 0 : i32
      %dma_wait3A_28 = tpu.memref_slice %arg7[%dma_wait3A] : memref<6144xi32, #tpu.memory_space<vmem>> -> memref<2048xi32, #tpu.memory_space<vmem>>
      %dma_wait3A_29 = tpu.memref_slice %arg3[%add3A_4] : memref<196608xi32, #tpu.memory_space<hbm>> -> memref<2048xi32, #tpu.memory_space<hbm>>
      %dma_wait3A_30 = arith.constant 0 : i32
      %dma_wait3A_31 = tpu.memref_slice %arg7[%dma_wait3A_30] : memref<6144xi32, #tpu.memory_space<vmem>> -> memref<2048xi32, #tpu.memory_space<vmem>>
      %dma_wait3A_32 = tpu.memref_slice %arg3[%add3A_4] : memref<196608xi32, #tpu.memory_space<hbm>> -> memref<2048xi32, #tpu.memory_space<hbm>>
      tpu.wait_dma2 semaphore(%run_scoped3A : memref<!tpu.dma_semaphore, #tpu.memory_space<semaphore_mem>>) src(%dma_wait3A_32 : memref<2048xi32, #tpu.memory_space<hbm>>) dst(%dma_wait3A_31 : memref<2048xi32, #tpu.memory_space<vmem>>)
      tpu.yield
    }) : () -> ()
    %add3A_5 = arith.constant 65536 : i32
    %add3A_6 = arith.addi %add3A_5, %mul3A_2 : i32
    "tpu.region"() ({
      %run_scoped3A = tpu.sem_alloc : memref<!tpu.dma_semaphore, #tpu.memory_space<semaphore_mem>>
      %dma_start3A = arith.constant 2048 : i32
      %dma_start3A_23 = tpu.memref_slice %arg7[%dma_start3A] : memref<6144xi32, #tpu.memory_space<vmem>> -> memref<2048xi32, #tpu.memory_space<vmem>>
      %dma_start3A_24 = tpu.memref_slice %arg3[%add3A_6] : memref<196608xi32, #tpu.memory_space<hbm>> -> memref<2048xi32, #tpu.memory_space<hbm>>
      %dma_start3A_25 = arith.constant 2048 : i32
      %dma_start3A_26 = tpu.memref_slice %arg7[%dma_start3A_25] : memref<6144xi32, #tpu.memory_space<vmem>> -> memref<2048xi32, #tpu.memory_space<vmem>>
      %dma_start3A_27 = tpu.memref_slice %arg3[%add3A_6] : memref<196608xi32, #tpu.memory_space<hbm>> -> memref<2048xi32, #tpu.memory_space<hbm>>
      tpu.enqueue_dma source(%dma_start3A_27 : memref<2048xi32, #tpu.memory_space<hbm>>) target(%dma_start3A_26 : memref<2048xi32, #tpu.memory_space<vmem>>) target_semaphore(%run_scoped3A : memref<!tpu.dma_semaphore, #tpu.memory_space<semaphore_mem>>)
      %dma_wait3A = arith.constant 2048 : i32
      %dma_wait3A_28 = tpu.memref_slice %arg7[%dma_wait3A] : memref<6144xi32, #tpu.memory_space<vmem>> -> memref<2048xi32, #tpu.memory_space<vmem>>
      %dma_wait3A_29 = tpu.memref_slice %arg3[%add3A_6] : memref<196608xi32, #tpu.memory_space<hbm>> -> memref<2048xi32, #tpu.memory_space<hbm>>
      %dma_wait3A_30 = arith.constant 2048 : i32
      %dma_wait3A_31 = tpu.memref_slice %arg7[%dma_wait3A_30] : memref<6144xi32, #tpu.memory_space<vmem>> -> memref<2048xi32, #tpu.memory_space<vmem>>
      %dma_wait3A_32 = tpu.memref_slice %arg3[%add3A_6] : memref<196608xi32, #tpu.memory_space<hbm>> -> memref<2048xi32, #tpu.memory_space<hbm>>
      tpu.wait_dma2 semaphore(%run_scoped3A : memref<!tpu.dma_semaphore, #tpu.memory_space<semaphore_mem>>) src(%dma_wait3A_32 : memref<2048xi32, #tpu.memory_space<hbm>>) dst(%dma_wait3A_31 : memref<2048xi32, #tpu.memory_space<vmem>>)
      tpu.yield
    }) : () -> ()
    %add3A_7 = arith.constant 131072 : i32
    %add3A_8 = arith.addi %add3A_7, %mul3A_2 : i32
    "tpu.region"() ({
      %run_scoped3A = tpu.sem_alloc : memref<!tpu.dma_semaphore, #tpu.memory_space<semaphore_mem>>
      %dma_start3A = arith.constant 4096 : i32
      %dma_start3A_23 = tpu.memref_slice %arg7[%dma_start3A] : memref<6144xi32, #tpu.memory_space<vmem>> -> memref<2048xi32, #tpu.memory_space<vmem>>
      %dma_start3A_24 = tpu.memref_slice %arg3[%add3A_8] : memref<196608xi32, #tpu.memory_space<hbm>> -> memref<2048xi32, #tpu.memory_space<hbm>>
      %dma_start3A_25 = arith.constant 4096 : i32
      %dma_start3A_26 = tpu.memref_slice %arg7[%dma_start3A_25] : memref<6144xi32, #tpu.memory_space<vmem>> -> memref<2048xi32, #tpu.memory_space<vmem>>
      %dma_start3A_27 = tpu.memref_slice %arg3[%add3A_8] : memref<196608xi32, #tpu.memory_space<hbm>> -> memref<2048xi32, #tpu.memory_space<hbm>>
      tpu.enqueue_dma source(%dma_start3A_27 : memref<2048xi32, #tpu.memory_space<hbm>>) target(%dma_start3A_26 : memref<2048xi32, #tpu.memory_space<vmem>>) target_semaphore(%run_scoped3A : memref<!tpu.dma_semaphore, #tpu.memory_space<semaphore_mem>>)
      %dma_wait3A = arith.constant 4096 : i32
      %dma_wait3A_28 = tpu.memref_slice %arg7[%dma_wait3A] : memref<6144xi32, #tpu.memory_space<vmem>> -> memref<2048xi32, #tpu.memory_space<vmem>>
      %dma_wait3A_29 = tpu.memref_slice %arg3[%add3A_8] : memref<196608xi32, #tpu.memory_space<hbm>> -> memref<2048xi32, #tpu.memory_space<hbm>>
      %dma_wait3A_30 = arith.constant 4096 : i32
      %dma_wait3A_31 = tpu.memref_slice %arg7[%dma_wait3A_30] : memref<6144xi32, #tpu.memory_space<vmem>> -> memref<2048xi32, #tpu.memory_space<vmem>>
      %dma_wait3A_32 = tpu.memref_slice %arg3[%add3A_8] : memref<196608xi32, #tpu.memory_space<hbm>> -> memref<2048xi32, #tpu.memory_space<hbm>>
      tpu.wait_dma2 semaphore(%run_scoped3A : memref<!tpu.dma_semaphore, #tpu.memory_space<semaphore_mem>>) src(%dma_wait3A_32 : memref<2048xi32, #tpu.memory_space<hbm>>) dst(%dma_wait3A_31 : memref<2048xi32, #tpu.memory_space<vmem>>)
      tpu.yield
    }) : () -> ()
    %parallel_loop3A = arith.constant 0 : i32
    %parallel_loop3A_9 = arith.constant 2048 : i32
    %parallel_loop3A_10 = arith.constant 16 : i32
    scf.for %parallel_loop3A_23 = %parallel_loop3A to %parallel_loop3A_9 step %parallel_loop3A_10  : i32 {
      %parallel_loop3A_24 = arith.index_cast %parallel_loop3A_23 : i32 to index
      %parallel_loop3A_25 = tpu.vector_load %arg7[%parallel_loop3A_24] {strides = array<i32>} : memref<6144xi32, #tpu.memory_space<vmem>>, vector<16xi32>,
      %parallel_loop3A_26 = arith.constant 2048 : i32
      %parallel_loop3A_27 = arith.addi %parallel_loop3A_26, %parallel_loop3A_23 : i32
      %parallel_loop3A_28 = arith.index_cast %parallel_loop3A_27 : i32 to index
      %parallel_loop3A_29 = tpu.vector_load %arg7[%parallel_loop3A_28] {strides = array<i32>} : memref<6144xi32, #tpu.memory_space<vmem>>, vector<16xi32>,
      %parallel_loop3A_30 = arith.sitofp %parallel_loop3A_29 : vector<16xi32> to vector<16xf32>
      %parallel_loop3A_31 = arith.constant 4096 : i32
      %parallel_loop3A_32 = arith.addi %parallel_loop3A_31, %parallel_loop3A_23 : i32
      %parallel_loop3A_33 = arith.index_cast %parallel_loop3A_32 : i32 to index
      %parallel_loop3A_34 = tpu.vector_load %arg7[%parallel_loop3A_33] {strides = array<i32>} : memref<6144xi32, #tpu.memory_space<vmem>>, vector<16xi32>,
      %parallel_loop3A_35 = arith.sitofp %parallel_loop3A_34 : vector<16xi32> to vector<16xf32>
      %parallel_loop3A_36 = arith.constant 0 : i32
      %parallel_loop3A_37 = vector.broadcast %parallel_loop3A_36 : i32 to vector<16xi32>
      %parallel_loop3A_38 = arith.addi %parallel_loop3A_25, %parallel_loop3A_37 : vector<16xi32>
      %parallel_loop3A_39 = tpu.vector_load_idx %arg6[%parallel_loop3A_38] : memref<9600xf32, #tpu.memory_space<vmem>>[vector<16xi32>], vector<16xf32>,
      %parallel_loop3A_40 = arith.mulf %parallel_loop3A_39, %parallel_loop3A_35 : vector<16xf32>
      %parallel_loop3A_41 = arith.constant 2400 : i32
      %parallel_loop3A_42 = vector.broadcast %parallel_loop3A_41 : i32 to vector<16xi32>
      %parallel_loop3A_43 = arith.addi %parallel_loop3A_25, %parallel_loop3A_42 : vector<16xi32>
      %parallel_loop3A_44 = tpu.vector_load_idx %arg6[%parallel_loop3A_43] : memref<9600xf32, #tpu.memory_space<vmem>>[vector<16xi32>], vector<16xf32>,
      %parallel_loop3A_45 = arith.mulf %parallel_loop3A_44, %parallel_loop3A_30 : vector<16xf32>
      %parallel_loop3A_46 = arith.addf %parallel_loop3A_40, %parallel_loop3A_45 : vector<16xf32>
      %parallel_loop3A_47 = arith.constant 4800 : i32
      %parallel_loop3A_48 = vector.broadcast %parallel_loop3A_47 : i32 to vector<16xi32>
      %parallel_loop3A_49 = arith.addi %parallel_loop3A_25, %parallel_loop3A_48 : vector<16xi32>
      %parallel_loop3A_50 = tpu.vector_load_idx %arg6[%parallel_loop3A_49] : memref<9600xf32, #tpu.memory_space<vmem>>[vector<16xi32>], vector<16xf32>,
      %parallel_loop3A_51 = arith.addf %parallel_loop3A_46, %parallel_loop3A_50 : vector<16xf32>
      %parallel_loop3A_52 = arith.constant 800 : i32
      %parallel_loop3A_53 = vector.broadcast %parallel_loop3A_52 : i32 to vector<16xi32>
      %parallel_loop3A_54 = arith.addi %parallel_loop3A_25, %parallel_loop3A_53 : vector<16xi32>
      %parallel_loop3A_55 = tpu.vector_load_idx %arg6[%parallel_loop3A_54] : memref<9600xf32, #tpu.memory_space<vmem>>[vector<16xi32>], vector<16xf32>,
      %parallel_loop3A_56 = arith.mulf %parallel_loop3A_55, %parallel_loop3A_35 : vector<16xf32>
      %parallel_loop3A_57 = arith.constant 3200 : i32
      %parallel_loop3A_58 = vector.broadcast %parallel_loop3A_57 : i32 to vector<16xi32>
      %parallel_loop3A_59 = arith.addi %parallel_loop3A_25, %parallel_loop3A_58 : vector<16xi32>
      %parallel_loop3A_60 = tpu.vector_load_idx %arg6[%parallel_loop3A_59] : memref<9600xf32, #tpu.memory_space<vmem>>[vector<16xi32>], vector<16xf32>,
      %parallel_loop3A_61 = arith.mulf %parallel_loop3A_60, %parallel_loop3A_30 : vector<16xf32>
      %parallel_loop3A_62 = arith.addf %parallel_loop3A_56, %parallel_loop3A_61 : vector<16xf32>
      %parallel_loop3A_63 = arith.constant 5600 : i32
      %parallel_loop3A_64 = vector.broadcast %parallel_loop3A_63 : i32 to vector<16xi32>
      %parallel_loop3A_65 = arith.addi %parallel_loop3A_25, %parallel_loop3A_64 : vector<16xi32>
      %parallel_loop3A_66 = tpu.vector_load_idx %arg6[%parallel_loop3A_65] : memref<9600xf32, #tpu.memory_space<vmem>>[vector<16xi32>], vector<16xf32>,
      %parallel_loop3A_67 = arith.addf %parallel_loop3A_62, %parallel_loop3A_66 : vector<16xf32>
      %parallel_loop3A_68 = arith.constant 1600 : i32
      %parallel_loop3A_69 = vector.broadcast %parallel_loop3A_68 : i32 to vector<16xi32>
      %parallel_loop3A_70 = arith.addi %parallel_loop3A_25, %parallel_loop3A_69 : vector<16xi32>
      %parallel_loop3A_71 = tpu.vector_load_idx %arg6[%parallel_loop3A_70] : memref<9600xf32, #tpu.memory_space<vmem>>[vector<16xi32>], vector<16xf32>,
      %parallel_loop3A_72 = arith.mulf %parallel_loop3A_71, %parallel_loop3A_35 : vector<16xf32>
      %parallel_loop3A_73 = arith.constant 4000 : i32
      %parallel_loop3A_74 = vector.broadcast %parallel_loop3A_73 : i32 to vector<16xi32>
      %parallel_loop3A_75 = arith.addi %parallel_loop3A_25, %parallel_loop3A_74 : vector<16xi32>
      %parallel_loop3A_76 = tpu.vector_load_idx %arg6[%parallel_loop3A_75] : memref<9600xf32, #tpu.memory_space<vmem>>[vector<16xi32>], vector<16xf32>,
      %parallel_loop3A_77 = arith.mulf %parallel_loop3A_76, %parallel_loop3A_30 : vector<16xf32>
      %parallel_loop3A_78 = arith.addf %parallel_loop3A_72, %parallel_loop3A_77 : vector<16xf32>
      %parallel_loop3A_79 = arith.constant 6400 : i32
      %parallel_loop3A_80 = vector.broadcast %parallel_loop3A_79 : i32 to vector<16xi32>
      %parallel_loop3A_81 = arith.addi %parallel_loop3A_25, %parallel_loop3A_80 : vector<16xi32>
      %parallel_loop3A_82 = tpu.vector_load_idx %arg6[%parallel_loop3A_81] : memref<9600xf32, #tpu.memory_space<vmem>>[vector<16xi32>], vector<16xf32>,
      %parallel_loop3A_83 = arith.addf %parallel_loop3A_78, %parallel_loop3A_82 : vector<16xf32>
      %parallel_loop3A_84 = arith.mulf %parallel_loop3A_51, %parallel_loop3A_51 : vector<16xf32>
      %parallel_loop3A_85 = arith.mulf %parallel_loop3A_67, %parallel_loop3A_67 : vector<16xf32>
      %parallel_loop3A_86 = arith.addf %parallel_loop3A_84, %parallel_loop3A_85 : vector<16xf32>
      %parallel_loop3A_87 = arith.mulf %parallel_loop3A_83, %parallel_loop3A_83 : vector<16xf32>
      %parallel_loop3A_88 = arith.addf %parallel_loop3A_86, %parallel_loop3A_87 : vector<16xf32>
      %parallel_loop3A_89 = arith.constant 9.99999996E-13 : f32
      %parallel_loop3A_90 = vector.broadcast %parallel_loop3A_89 : f32 to vector<16xf32>
      %parallel_loop3A_91 = arith.addf %parallel_loop3A_88, %parallel_loop3A_90 : vector<16xf32>
      %parallel_loop3A_92 = vector.bitcast %parallel_loop3A_91 : vector<16xf32> to vector<16xi32>
      %parallel_loop3A_93 = arith.constant 1 : i32
      %parallel_loop3A_94 = vector.broadcast %parallel_loop3A_93 : i32 to vector<16xi32>
      %parallel_loop3A_95 = arith.shrui %parallel_loop3A_92, %parallel_loop3A_94 : vector<16xi32>
      %parallel_loop3A_96 = arith.constant 1597463007 : i32
      %parallel_loop3A_97 = vector.broadcast %parallel_loop3A_96 : i32 to vector<16xi32>
      %parallel_loop3A_98 = arith.subi %parallel_loop3A_97, %parallel_loop3A_95 : vector<16xi32>
      %parallel_loop3A_99 = vector.bitcast %parallel_loop3A_98 : vector<16xi32> to vector<16xf32>
      %parallel_loop3A_100 = arith.constant 5.000000e-01 : f32
      %parallel_loop3A_101 = vector.broadcast %parallel_loop3A_100 : f32 to vector<16xf32>
      %parallel_loop3A_102 = arith.mulf %parallel_loop3A_101, %parallel_loop3A_91 : vector<16xf32>
      %parallel_loop3A_103 = arith.mulf %parallel_loop3A_102, %parallel_loop3A_99 : vector<16xf32>
      %parallel_loop3A_104 = arith.mulf %parallel_loop3A_103, %parallel_loop3A_99 : vector<16xf32>
      %parallel_loop3A_105 = arith.constant 1.500000e+00 : f32
      %parallel_loop3A_106 = vector.broadcast %parallel_loop3A_105 : f32 to vector<16xf32>
      %parallel_loop3A_107 = arith.subf %parallel_loop3A_106, %parallel_loop3A_104 : vector<16xf32>
      %parallel_loop3A_108 = arith.mulf %parallel_loop3A_99, %parallel_loop3A_107 : vector<16xf32>
      %parallel_loop3A_109 = arith.mulf %parallel_loop3A_102, %parallel_loop3A_108 : vector<16xf32>
      %parallel_loop3A_110 = arith.mulf %parallel_loop3A_109, %parallel_loop3A_108 : vector<16xf32>
      %parallel_loop3A_111 = arith.constant 1.500000e+00 : f32
      %parallel_loop3A_112 = vector.broadcast %parallel_loop3A_111 : f32 to vector<16xf32>
      %parallel_loop3A_113 = arith.subf %parallel_loop3A_112, %parallel_loop3A_110 : vector<16xf32>
      %parallel_loop3A_114 = arith.mulf %parallel_loop3A_108, %parallel_loop3A_113 : vector<16xf32>
      %parallel_loop3A_115 = arith.constant 7200 : i32
      %parallel_loop3A_116 = vector.broadcast %parallel_loop3A_115 : i32 to vector<16xi32>
      %parallel_loop3A_117 = arith.addi %parallel_loop3A_25, %parallel_loop3A_116 : vector<16xi32>
      %parallel_loop3A_118 = tpu.vector_load_idx %arg6[%parallel_loop3A_117] : memref<9600xf32, #tpu.memory_space<vmem>>[vector<16xi32>], vector<16xf32>,
      %parallel_loop3A_119 = arith.index_cast %parallel_loop3A_23 : i32 to index
      %parallel_loop3A_120 = tpu.vector_load %arg8[%parallel_loop3A_119] {strides = array<i32>} : memref<6144xf32, #tpu.memory_space<vmem>>, vector<16xf32>,
      tpu.vector_store %arg8[%parallel_loop3A_119], %parallel_loop3A_118 {strides = array<i32>} : memref<6144xf32, #tpu.memory_space<vmem>>, vector<16xf32>,
      %parallel_loop3A_121 = arith.constant 8000 : i32
      %parallel_loop3A_122 = vector.broadcast %parallel_loop3A_121 : i32 to vector<16xi32>
      %parallel_loop3A_123 = arith.addi %parallel_loop3A_25, %parallel_loop3A_122 : vector<16xi32>
      %parallel_loop3A_124 = tpu.vector_load_idx %arg6[%parallel_loop3A_123] : memref<9600xf32, #tpu.memory_space<vmem>>[vector<16xi32>], vector<16xf32>,
      %parallel_loop3A_125 = arith.constant 2048 : i32
      %parallel_loop3A_126 = arith.addi %parallel_loop3A_125, %parallel_loop3A_23 : i32
      %parallel_loop3A_127 = arith.index_cast %parallel_loop3A_126 : i32 to index
      %parallel_loop3A_128 = tpu.vector_load %arg8[%parallel_loop3A_127] {strides = array<i32>} : memref<6144xf32, #tpu.memory_space<vmem>>, vector<16xf32>,
      tpu.vector_store %arg8[%parallel_loop3A_127], %parallel_loop3A_124 {strides = array<i32>} : memref<6144xf32, #tpu.memory_space<vmem>>, vector<16xf32>,
      %parallel_loop3A_129 = arith.constant 8800 : i32
      %parallel_loop3A_130 = vector.broadcast %parallel_loop3A_129 : i32 to vector<16xi32>
      %parallel_loop3A_131 = arith.addi %parallel_loop3A_25, %parallel_loop3A_130 : vector<16xi32>
      %parallel_loop3A_132 = tpu.vector_load_idx %arg6[%parallel_loop3A_131] : memref<9600xf32, #tpu.memory_space<vmem>>[vector<16xi32>], vector<16xf32>,
      %parallel_loop3A_133 = arith.constant 4096 : i32
      %parallel_loop3A_134 = arith.addi %parallel_loop3A_133, %parallel_loop3A_23 : i32
      %parallel_loop3A_135 = arith.index_cast %parallel_loop3A_134 : i32 to index
      %parallel_loop3A_136 = tpu.vector_load %arg8[%parallel_loop3A_135] {strides = array<i32>} : memref<6144xf32, #tpu.memory_space<vmem>>, vector<16xf32>,
      tpu.vector_store %arg8[%parallel_loop3A_135], %parallel_loop3A_132 {strides = array<i32>} : memref<6144xf32, #tpu.memory_space<vmem>>, vector<16xf32>,
      %parallel_loop3A_137 = arith.mulf %parallel_loop3A_51, %parallel_loop3A_114 : vector<16xf32>
      %parallel_loop3A_138 = arith.index_cast %parallel_loop3A_23 : i32 to index
      %parallel_loop3A_139 = tpu.vector_load %arg9[%parallel_loop3A_138] {strides = array<i32>} : memref<6144xf32, #tpu.memory_space<vmem>>, vector<16xf32>,
      tpu.vector_store %arg9[%parallel_loop3A_138], %parallel_loop3A_137 {strides = array<i32>} : memref<6144xf32, #tpu.memory_space<vmem>>, vector<16xf32>,
      %parallel_loop3A_140 = arith.mulf %parallel_loop3A_67, %parallel_loop3A_114 : vector<16xf32>
      %parallel_loop3A_141 = arith.constant 2048 : i32
      %parallel_loop3A_142 = arith.addi %parallel_loop3A_141, %parallel_loop3A_23 : i32
      %parallel_loop3A_143 = arith.index_cast %parallel_loop3A_142 : i32 to index
      %parallel_loop3A_144 = tpu.vector_load %arg9[%parallel_loop3A_143] {strides = array<i32>} : memref<6144xf32, #tpu.memory_space<vmem>>, vector<16xf32>,
      tpu.vector_store %arg9[%parallel_loop3A_143], %parallel_loop3A_140 {strides = array<i32>} : memref<6144xf32, #tpu.memory_space<vmem>>, vector<16xf32>,
      %parallel_loop3A_145 = arith.mulf %parallel_loop3A_83, %parallel_loop3A_114 : vector<16xf32>
      %parallel_loop3A_146 = arith.constant 4096 : i32
      %parallel_loop3A_147 = arith.addi %parallel_loop3A_146, %parallel_loop3A_23 : i32
      %parallel_loop3A_148 = arith.index_cast %parallel_loop3A_147 : i32 to index
      %parallel_loop3A_149 = tpu.vector_load %arg9[%parallel_loop3A_148] {strides = array<i32>} : memref<6144xf32, #tpu.memory_space<vmem>>, vector<16xf32>,
      tpu.vector_store %arg9[%parallel_loop3A_148], %parallel_loop3A_145 {strides = array<i32>} : memref<6144xf32, #tpu.memory_space<vmem>>, vector<16xf32>,
    } {sc.loop_unroll_factor = 4 : i64, sc.parallel_access}
    %add3A_11 = arith.constant 0 : i32
    %add3A_12 = arith.addi %add3A_11, %mul3A_2 : i32
    "tpu.region"() ({
      %run_scoped3A = tpu.sem_alloc : memref<!tpu.dma_semaphore, #tpu.memory_space<semaphore_mem>>
      %dma_start3A = arith.constant 0 : i32
      %dma_start3A_23 = tpu.memref_slice %arg8[%dma_start3A] : memref<6144xf32, #tpu.memory_space<vmem>> -> memref<2048xf32, #tpu.memory_space<vmem>>
      %dma_start3A_24 = tpu.memref_slice %arg4[%add3A_12] : memref<196608xf32, #tpu.memory_space<hbm>> -> memref<2048xf32, #tpu.memory_space<hbm>>
      %dma_start3A_25 = tpu.memref_slice %arg4[%add3A_12] : memref<196608xf32, #tpu.memory_space<hbm>> -> memref<2048xf32, #tpu.memory_space<hbm>>
      %dma_start3A_26 = arith.constant 0 : i32
      %dma_start3A_27 = tpu.memref_slice %arg8[%dma_start3A_26] : memref<6144xf32, #tpu.memory_space<vmem>> -> memref<2048xf32, #tpu.memory_space<vmem>>
      tpu.enqueue_dma source(%dma_start3A_27 : memref<2048xf32, #tpu.memory_space<vmem>>) target(%dma_start3A_25 : memref<2048xf32, #tpu.memory_space<hbm>>) target_semaphore(%run_scoped3A : memref<!tpu.dma_semaphore, #tpu.memory_space<semaphore_mem>>)
      %dma_wait3A = arith.constant 0 : i32
      %dma_wait3A_28 = tpu.memref_slice %arg8[%dma_wait3A] : memref<6144xf32, #tpu.memory_space<vmem>> -> memref<2048xf32, #tpu.memory_space<vmem>>
      %dma_wait3A_29 = tpu.memref_slice %arg4[%add3A_12] : memref<196608xf32, #tpu.memory_space<hbm>> -> memref<2048xf32, #tpu.memory_space<hbm>>
      %dma_wait3A_30 = tpu.memref_slice %arg4[%add3A_12] : memref<196608xf32, #tpu.memory_space<hbm>> -> memref<2048xf32, #tpu.memory_space<hbm>>
      %dma_wait3A_31 = arith.constant 0 : i32
      %dma_wait3A_32 = tpu.memref_slice %arg8[%dma_wait3A_31] : memref<6144xf32, #tpu.memory_space<vmem>> -> memref<2048xf32, #tpu.memory_space<vmem>>
      tpu.wait_dma2 semaphore(%run_scoped3A : memref<!tpu.dma_semaphore, #tpu.memory_space<semaphore_mem>>) src(%dma_wait3A_32 : memref<2048xf32, #tpu.memory_space<vmem>>) dst(%dma_wait3A_30 : memref<2048xf32, #tpu.memory_space<hbm>>)
      tpu.yield
    }) : () -> ()
    %add3A_13 = arith.constant 0 : i32
    %add3A_14 = arith.addi %add3A_13, %mul3A_2 : i32
    "tpu.region"() ({
      %run_scoped3A = tpu.sem_alloc : memref<!tpu.dma_semaphore, #tpu.memory_space<semaphore_mem>>
      %dma_start3A = arith.constant 0 : i32
      %dma_start3A_23 = tpu.memref_slice %arg9[%dma_start3A] : memref<6144xf32, #tpu.memory_space<vmem>> -> memref<2048xf32, #tpu.memory_space<vmem>>
      %dma_start3A_24 = tpu.memref_slice %arg5[%add3A_14] : memref<196608xf32, #tpu.memory_space<hbm>> -> memref<2048xf32, #tpu.memory_space<hbm>>
      %dma_start3A_25 = tpu.memref_slice %arg5[%add3A_14] : memref<196608xf32, #tpu.memory_space<hbm>> -> memref<2048xf32, #tpu.memory_space<hbm>>
      %dma_start3A_26 = arith.constant 0 : i32
      %dma_start3A_27 = tpu.memref_slice %arg9[%dma_start3A_26] : memref<6144xf32, #tpu.memory_space<vmem>> -> memref<2048xf32, #tpu.memory_space<vmem>>
      tpu.enqueue_dma source(%dma_start3A_27 : memref<2048xf32, #tpu.memory_space<vmem>>) target(%dma_start3A_25 : memref<2048xf32, #tpu.memory_space<hbm>>) target_semaphore(%run_scoped3A : memref<!tpu.dma_semaphore, #tpu.memory_space<semaphore_mem>>)
      %dma_wait3A = arith.constant 0 : i32
      %dma_wait3A_28 = tpu.memref_slice %arg9[%dma_wait3A] : memref<6144xf32, #tpu.memory_space<vmem>> -> memref<2048xf32, #tpu.memory_space<vmem>>
      %dma_wait3A_29 = tpu.memref_slice %arg5[%add3A_14] : memref<196608xf32, #tpu.memory_space<hbm>> -> memref<2048xf32, #tpu.memory_space<hbm>>
      %dma_wait3A_30 = tpu.memref_slice %arg5[%add3A_14] : memref<196608xf32, #tpu.memory_space<hbm>> -> memref<2048xf32, #tpu.memory_space<hbm>>
      %dma_wait3A_31 = arith.constant 0 : i32
      %dma_wait3A_32 = tpu.memref_slice %arg9[%dma_wait3A_31] : memref<6144xf32, #tpu.memory_space<vmem>> -> memref<2048xf32, #tpu.memory_space<vmem>>
      tpu.wait_dma2 semaphore(%run_scoped3A : memref<!tpu.dma_semaphore, #tpu.memory_space<semaphore_mem>>) src(%dma_wait3A_32 : memref<2048xf32, #tpu.memory_space<vmem>>) dst(%dma_wait3A_30 : memref<2048xf32, #tpu.memory_space<hbm>>)
      tpu.yield
    }) : () -> ()
    %add3A_15 = arith.constant 65536 : i32
    %add3A_16 = arith.addi %add3A_15, %mul3A_2 : i32
    "tpu.region"() ({
      %run_scoped3A = tpu.sem_alloc : memref<!tpu.dma_semaphore, #tpu.memory_space<semaphore_mem>>
      %dma_start3A = arith.constant 2048 : i32
      %dma_start3A_23 = tpu.memref_slice %arg8[%dma_start3A] : memref<6144xf32, #tpu.memory_space<vmem>> -> memref<2048xf32, #tpu.memory_space<vmem>>
      %dma_start3A_24 = tpu.memref_slice %arg4[%add3A_16] : memref<196608xf32, #tpu.memory_space<hbm>> -> memref<2048xf32, #tpu.memory_space<hbm>>
      %dma_start3A_25 = tpu.memref_slice %arg4[%add3A_16] : memref<196608xf32, #tpu.memory_space<hbm>> -> memref<2048xf32, #tpu.memory_space<hbm>>
      %dma_start3A_26 = arith.constant 2048 : i32
      %dma_start3A_27 = tpu.memref_slice %arg8[%dma_start3A_26] : memref<6144xf32, #tpu.memory_space<vmem>> -> memref<2048xf32, #tpu.memory_space<vmem>>
      tpu.enqueue_dma source(%dma_start3A_27 : memref<2048xf32, #tpu.memory_space<vmem>>) target(%dma_start3A_25 : memref<2048xf32, #tpu.memory_space<hbm>>) target_semaphore(%run_scoped3A : memref<!tpu.dma_semaphore, #tpu.memory_space<semaphore_mem>>)
      %dma_wait3A = arith.constant 2048 : i32
      %dma_wait3A_28 = tpu.memref_slice %arg8[%dma_wait3A] : memref<6144xf32, #tpu.memory_space<vmem>> -> memref<2048xf32, #tpu.memory_space<vmem>>
      %dma_wait3A_29 = tpu.memref_slice %arg4[%add3A_16] : memref<196608xf32, #tpu.memory_space<hbm>> -> memref<2048xf32, #tpu.memory_space<hbm>>
      %dma_wait3A_30 = tpu.memref_slice %arg4[%add3A_16] : memref<196608xf32, #tpu.memory_space<hbm>> -> memref<2048xf32, #tpu.memory_space<hbm>>
      %dma_wait3A_31 = arith.constant 2048 : i32
      %dma_wait3A_32 = tpu.memref_slice %arg8[%dma_wait3A_31] : memref<6144xf32, #tpu.memory_space<vmem>> -> memref<2048xf32, #tpu.memory_space<vmem>>
      tpu.wait_dma2 semaphore(%run_scoped3A : memref<!tpu.dma_semaphore, #tpu.memory_space<semaphore_mem>>) src(%dma_wait3A_32 : memref<2048xf32, #tpu.memory_space<vmem>>) dst(%dma_wait3A_30 : memref<2048xf32, #tpu.memory_space<hbm>>)
      tpu.yield
    }) : () -> ()
    %add3A_17 = arith.constant 65536 : i32
    %add3A_18 = arith.addi %add3A_17, %mul3A_2 : i32
    "tpu.region"() ({
      %run_scoped3A = tpu.sem_alloc : memref<!tpu.dma_semaphore, #tpu.memory_space<semaphore_mem>>
      %dma_start3A = arith.constant 2048 : i32
      %dma_start3A_23 = tpu.memref_slice %arg9[%dma_start3A] : memref<6144xf32, #tpu.memory_space<vmem>> -> memref<2048xf32, #tpu.memory_space<vmem>>
      %dma_start3A_24 = tpu.memref_slice %arg5[%add3A_18] : memref<196608xf32, #tpu.memory_space<hbm>> -> memref<2048xf32, #tpu.memory_space<hbm>>
      %dma_start3A_25 = tpu.memref_slice %arg5[%add3A_18] : memref<196608xf32, #tpu.memory_space<hbm>> -> memref<2048xf32, #tpu.memory_space<hbm>>
      %dma_start3A_26 = arith.constant 2048 : i32
      %dma_start3A_27 = tpu.memref_slice %arg9[%dma_start3A_26] : memref<6144xf32, #tpu.memory_space<vmem>> -> memref<2048xf32, #tpu.memory_space<vmem>>
      tpu.enqueue_dma source(%dma_start3A_27 : memref<2048xf32, #tpu.memory_space<vmem>>) target(%dma_start3A_25 : memref<2048xf32, #tpu.memory_space<hbm>>) target_semaphore(%run_scoped3A : memref<!tpu.dma_semaphore, #tpu.memory_space<semaphore_mem>>)
      %dma_wait3A = arith.constant 2048 : i32
      %dma_wait3A_28 = tpu.memref_slice %arg9[%dma_wait3A] : memref<6144xf32, #tpu.memory_space<vmem>> -> memref<2048xf32, #tpu.memory_space<vmem>>
      %dma_wait3A_29 = tpu.memref_slice %arg5[%add3A_18] : memref<196608xf32, #tpu.memory_space<hbm>> -> memref<2048xf32, #tpu.memory_space<hbm>>
      %dma_wait3A_30 = tpu.memref_slice %arg5[%add3A_18] : memref<196608xf32, #tpu.memory_space<hbm>> -> memref<2048xf32, #tpu.memory_space<hbm>>
      %dma_wait3A_31 = arith.constant 2048 : i32
      %dma_wait3A_32 = tpu.memref_slice %arg9[%dma_wait3A_31] : memref<6144xf32, #tpu.memory_space<vmem>> -> memref<2048xf32, #tpu.memory_space<vmem>>
      tpu.wait_dma2 semaphore(%run_scoped3A : memref<!tpu.dma_semaphore, #tpu.memory_space<semaphore_mem>>) src(%dma_wait3A_32 : memref<2048xf32, #tpu.memory_space<vmem>>) dst(%dma_wait3A_30 : memref<2048xf32, #tpu.memory_space<hbm>>)
      tpu.yield
    }) : () -> ()
    %add3A_19 = arith.constant 131072 : i32
    %add3A_20 = arith.addi %add3A_19, %mul3A_2 : i32
    "tpu.region"() ({
      %run_scoped3A = tpu.sem_alloc : memref<!tpu.dma_semaphore, #tpu.memory_space<semaphore_mem>>
      %dma_start3A = arith.constant 4096 : i32
      %dma_start3A_23 = tpu.memref_slice %arg8[%dma_start3A] : memref<6144xf32, #tpu.memory_space<vmem>> -> memref<2048xf32, #tpu.memory_space<vmem>>
      %dma_start3A_24 = tpu.memref_slice %arg4[%add3A_20] : memref<196608xf32, #tpu.memory_space<hbm>> -> memref<2048xf32, #tpu.memory_space<hbm>>
      %dma_start3A_25 = tpu.memref_slice %arg4[%add3A_20] : memref<196608xf32, #tpu.memory_space<hbm>> -> memref<2048xf32, #tpu.memory_space<hbm>>
      %dma_start3A_26 = arith.constant 4096 : i32
      %dma_start3A_27 = tpu.memref_slice %arg8[%dma_start3A_26] : memref<6144xf32, #tpu.memory_space<vmem>> -> memref<2048xf32, #tpu.memory_space<vmem>>
      tpu.enqueue_dma source(%dma_start3A_27 : memref<2048xf32, #tpu.memory_space<vmem>>) target(%dma_start3A_25 : memref<2048xf32, #tpu.memory_space<hbm>>) target_semaphore(%run_scoped3A : memref<!tpu.dma_semaphore, #tpu.memory_space<semaphore_mem>>)
      %dma_wait3A = arith.constant 4096 : i32
      %dma_wait3A_28 = tpu.memref_slice %arg8[%dma_wait3A] : memref<6144xf32, #tpu.memory_space<vmem>> -> memref<2048xf32, #tpu.memory_space<vmem>>
      %dma_wait3A_29 = tpu.memref_slice %arg4[%add3A_20] : memref<196608xf32, #tpu.memory_space<hbm>> -> memref<2048xf32, #tpu.memory_space<hbm>>
      %dma_wait3A_30 = tpu.memref_slice %arg4[%add3A_20] : memref<196608xf32, #tpu.memory_space<hbm>> -> memref<2048xf32, #tpu.memory_space<hbm>>
      %dma_wait3A_31 = arith.constant 4096 : i32
      %dma_wait3A_32 = tpu.memref_slice %arg8[%dma_wait3A_31] : memref<6144xf32, #tpu.memory_space<vmem>> -> memref<2048xf32, #tpu.memory_space<vmem>>
      tpu.wait_dma2 semaphore(%run_scoped3A : memref<!tpu.dma_semaphore, #tpu.memory_space<semaphore_mem>>) src(%dma_wait3A_32 : memref<2048xf32, #tpu.memory_space<vmem>>) dst(%dma_wait3A_30 : memref<2048xf32, #tpu.memory_space<hbm>>)
      tpu.yield
    }) : () -> ()
    %add3A_21 = arith.constant 131072 : i32
    %add3A_22 = arith.addi %add3A_21, %mul3A_2 : i32
    "tpu.region"() ({
      %run_scoped3A = tpu.sem_alloc : memref<!tpu.dma_semaphore, #tpu.memory_space<semaphore_mem>>
      %dma_start3A = arith.constant 4096 : i32
      %dma_start3A_23 = tpu.memref_slice %arg9[%dma_start3A] : memref<6144xf32, #tpu.memory_space<vmem>> -> memref<2048xf32, #tpu.memory_space<vmem>>
      %dma_start3A_24 = tpu.memref_slice %arg5[%add3A_22] : memref<196608xf32, #tpu.memory_space<hbm>> -> memref<2048xf32, #tpu.memory_space<hbm>>
      %dma_start3A_25 = tpu.memref_slice %arg5[%add3A_22] : memref<196608xf32, #tpu.memory_space<hbm>> -> memref<2048xf32, #tpu.memory_space<hbm>>
      %dma_start3A_26 = arith.constant 4096 : i32
      %dma_start3A_27 = tpu.memref_slice %arg9[%dma_start3A_26] : memref<6144xf32, #tpu.memory_space<vmem>> -> memref<2048xf32, #tpu.memory_space<vmem>>
      tpu.enqueue_dma source(%dma_start3A_27 : memref<2048xf32, #tpu.memory_space<vmem>>) target(%dma_start3A_25 : memref<2048xf32, #tpu.memory_space<hbm>>) target_semaphore(%run_scoped3A : memref<!tpu.dma_semaphore, #tpu.memory_space<semaphore_mem>>)
      %dma_wait3A = arith.constant 4096 : i32
      %dma_wait3A_28 = tpu.memref_slice %arg9[%dma_wait3A] : memref<6144xf32, #tpu.memory_space<vmem>> -> memref<2048xf32, #tpu.memory_space<vmem>>
      %dma_wait3A_29 = tpu.memref_slice %arg5[%add3A_22] : memref<196608xf32, #tpu.memory_space<hbm>> -> memref<2048xf32, #tpu.memory_space<hbm>>
      %dma_wait3A_30 = tpu.memref_slice %arg5[%add3A_22] : memref<196608xf32, #tpu.memory_space<hbm>> -> memref<2048xf32, #tpu.memory_space<hbm>>
      %dma_wait3A_31 = arith.constant 4096 : i32
      %dma_wait3A_32 = tpu.memref_slice %arg9[%dma_wait3A_31] : memref<6144xf32, #tpu.memory_space<vmem>> -> memref<2048xf32, #tpu.memory_space<vmem>>
      tpu.wait_dma2 semaphore(%run_scoped3A : memref<!tpu.dma_semaphore, #tpu.memory_space<semaphore_mem>>) src(%dma_wait3A_32 : memref<2048xf32, #tpu.memory_space<vmem>>) dst(%dma_wait3A_30 : memref<2048xf32, #tpu.memory_space<hbm>>)
      tpu.yield
    }) : () -> ()
    return
  }
}

module attributes {stable_mosaic.version = 14 : i64} {
  func.func @_table_kernel(%arg0: memref<12x800xf32, #tpu.memory_space<vmem>>, %arg1: memref<6x800xf32, #tpu.memory_space<vmem>>, %arg2: memref<800xf32, #tpu.memory_space<vmem>>, %arg3: memref<800xf32, #tpu.memory_space<vmem>>, %arg4: memref<800xf32, #tpu.memory_space<vmem>>, %arg5: memref<800xf32, #tpu.memory_space<vmem>>, %arg6: memref<12x800xf32, #tpu.memory_space<vmem>>) attributes {dimension_semantics = [], scalar_prefetch = 0 : i64, scratch_operands = 0 : i64, tpu.core_type = #tpu.core_type<tc>} {
    %get3A = arith.constant 0 : index
    %get3A_0 = arith.constant 0 : index
    %get3A_1 = vector.load %arg0[%get3A, %get3A_0] : memref<12x800xf32, #tpu.memory_space<vmem>>, vector<12x800xf32>
    %slice3A = vector.extract_strided_slice %get3A_1 {offsets = [0, 0], sizes = [1, 800], strides = [1, 1]} : vector<12x800xf32> to vector<1x800xf32>
    %slice3A_2 = vector.extract_strided_slice %get3A_1 {offsets = [1, 0], sizes = [1, 800], strides = [1, 1]} : vector<12x800xf32> to vector<1x800xf32>
    %slice3A_3 = vector.extract_strided_slice %get3A_1 {offsets = [2, 0], sizes = [1, 800], strides = [1, 1]} : vector<12x800xf32> to vector<1x800xf32>
    %slice3A_4 = vector.extract_strided_slice %get3A_1 {offsets = [4, 0], sizes = [1, 800], strides = [1, 1]} : vector<12x800xf32> to vector<1x800xf32>
    %slice3A_5 = vector.extract_strided_slice %get3A_1 {offsets = [5, 0], sizes = [1, 800], strides = [1, 1]} : vector<12x800xf32> to vector<1x800xf32>
    %slice3A_6 = vector.extract_strided_slice %get3A_1 {offsets = [6, 0], sizes = [1, 800], strides = [1, 1]} : vector<12x800xf32> to vector<1x800xf32>
    %slice3A_7 = vector.extract_strided_slice %get3A_1 {offsets = [8, 0], sizes = [1, 800], strides = [1, 1]} : vector<12x800xf32> to vector<1x800xf32>
    %slice3A_8 = vector.extract_strided_slice %get3A_1 {offsets = [9, 0], sizes = [1, 800], strides = [1, 1]} : vector<12x800xf32> to vector<1x800xf32>
    %slice3A_9 = vector.extract_strided_slice %get3A_1 {offsets = [10, 0], sizes = [1, 800], strides = [1, 1]} : vector<12x800xf32> to vector<1x800xf32>
    %slice3A_10 = vector.extract_strided_slice %get3A_1 {offsets = [3, 0], sizes = [1, 800], strides = [1, 1]} : vector<12x800xf32> to vector<1x800xf32>
    %slice3A_11 = vector.extract_strided_slice %get3A_1 {offsets = [7, 0], sizes = [1, 800], strides = [1, 1]} : vector<12x800xf32> to vector<1x800xf32>
    %slice3A_12 = vector.extract_strided_slice %get3A_1 {offsets = [11, 0], sizes = [1, 800], strides = [1, 1]} : vector<12x800xf32> to vector<1x800xf32>
    %get3A_13 = arith.constant 0 : index
    %get3A_14 = arith.constant 0 : index
    %get3A_15 = vector.load %arg1[%get3A_13, %get3A_14] : memref<6x800xf32, #tpu.memory_space<vmem>>, vector<6x800xf32>
    %slice3A_16 = vector.extract_strided_slice %get3A_15 {offsets = [0, 0], sizes = [1, 800], strides = [1, 1]} : vector<6x800xf32> to vector<1x800xf32>
    %slice3A_17 = vector.extract_strided_slice %get3A_15 {offsets = [1, 0], sizes = [1, 800], strides = [1, 1]} : vector<6x800xf32> to vector<1x800xf32>
    %slice3A_18 = vector.extract_strided_slice %get3A_15 {offsets = [2, 0], sizes = [1, 800], strides = [1, 1]} : vector<6x800xf32> to vector<1x800xf32>
    %slice3A_19 = vector.extract_strided_slice %get3A_15 {offsets = [3, 0], sizes = [1, 800], strides = [1, 1]} : vector<6x800xf32> to vector<1x800xf32>
    %slice3A_20 = vector.extract_strided_slice %get3A_15 {offsets = [4, 0], sizes = [1, 800], strides = [1, 1]} : vector<6x800xf32> to vector<1x800xf32>
    %slice3A_21 = vector.extract_strided_slice %get3A_15 {offsets = [5, 0], sizes = [1, 800], strides = [1, 1]} : vector<6x800xf32> to vector<1x800xf32>
    %mul3A = arith.mulf %slice3A_19, %slice3A_19 : vector<1x800xf32>
    %mul3A_22 = arith.mulf %slice3A_20, %slice3A_20 : vector<1x800xf32>
    %add3A = arith.addf %mul3A, %mul3A_22 : vector<1x800xf32>
    %mul3A_23 = arith.mulf %slice3A_21, %slice3A_21 : vector<1x800xf32>
    %add3A_24 = arith.addf %add3A, %mul3A_23 : vector<1x800xf32>
    %add3A_25 = arith.constant 9.99999996E-13 : f32
    %add3A_26 = vector.broadcast %add3A_25 : f32 to vector<1x800xf32>
    %add3A_27 = arith.addf %add3A_24, %add3A_26 : vector<1x800xf32>
    %sqrt3A = math.sqrt %add3A_27 : vector<1x800xf32>
    %div3A = arith.constant 1.000000e+00 : f32
    %div3A_28 = vector.broadcast %div3A : f32 to vector<1x800xf32>
    %div3A_29 = arith.divf %div3A_28, %sqrt3A : vector<1x800xf32>
    %mul3A_30 = arith.mulf %slice3A_19, %div3A_29 : vector<1x800xf32>
    %mul3A_31 = arith.mulf %slice3A_20, %div3A_29 : vector<1x800xf32>
    %mul3A_32 = arith.mulf %slice3A_21, %div3A_29 : vector<1x800xf32>
    %sin3A = math.sin %sqrt3A : vector<1x800xf32>
    %cos3A = math.cos %sqrt3A : vector<1x800xf32>
    %sub3A = arith.constant 1.000000e+00 : f32
    %sub3A_33 = vector.broadcast %sub3A : f32 to vector<1x800xf32>
    %sub3A_34 = arith.subf %sub3A_33, %cos3A : vector<1x800xf32>
    %mul3A_35 = arith.mulf %mul3A_31, %mul3A_31 : vector<1x800xf32>
    %mul3A_36 = arith.mulf %mul3A_32, %mul3A_32 : vector<1x800xf32>
    %add3A_37 = arith.addf %mul3A_35, %mul3A_36 : vector<1x800xf32>
    %mul3A_38 = arith.mulf %sub3A_34, %add3A_37 : vector<1x800xf32>
    %sub3A_39 = arith.constant 1.000000e+00 : f32
    %sub3A_40 = vector.broadcast %sub3A_39 : f32 to vector<1x800xf32>
    %sub3A_41 = arith.subf %sub3A_40, %mul3A_38 : vector<1x800xf32>
    %neg3A = arith.constant 0.000000e+00 : f32
    %neg3A_42 = vector.broadcast %neg3A : f32 to vector<1x800xf32>
    %neg3A_43 = arith.subf %neg3A_42, %sin3A : vector<1x800xf32>
    %mul3A_44 = arith.mulf %neg3A_43, %mul3A_32 : vector<1x800xf32>
    %mul3A_45 = arith.mulf %sub3A_34, %mul3A_30 : vector<1x800xf32>
    %mul3A_46 = arith.mulf %mul3A_45, %mul3A_31 : vector<1x800xf32>
    %add3A_47 = arith.addf %mul3A_44, %mul3A_46 : vector<1x800xf32>
    %mul3A_48 = arith.mulf %sin3A, %mul3A_31 : vector<1x800xf32>
    %mul3A_49 = arith.mulf %sub3A_34, %mul3A_30 : vector<1x800xf32>
    %mul3A_50 = arith.mulf %mul3A_49, %mul3A_32 : vector<1x800xf32>
    %add3A_51 = arith.addf %mul3A_48, %mul3A_50 : vector<1x800xf32>
    %mul3A_52 = arith.mulf %sin3A, %mul3A_32 : vector<1x800xf32>
    %mul3A_53 = arith.mulf %sub3A_34, %mul3A_30 : vector<1x800xf32>
    %mul3A_54 = arith.mulf %mul3A_53, %mul3A_31 : vector<1x800xf32>
    %add3A_55 = arith.addf %mul3A_52, %mul3A_54 : vector<1x800xf32>
    %mul3A_56 = arith.mulf %mul3A_30, %mul3A_30 : vector<1x800xf32>
    %mul3A_57 = arith.mulf %mul3A_32, %mul3A_32 : vector<1x800xf32>
    %add3A_58 = arith.addf %mul3A_56, %mul3A_57 : vector<1x800xf32>
    %mul3A_59 = arith.mulf %sub3A_34, %add3A_58 : vector<1x800xf32>
    %sub3A_60 = arith.constant 1.000000e+00 : f32
    %sub3A_61 = vector.broadcast %sub3A_60 : f32 to vector<1x800xf32>
    %sub3A_62 = arith.subf %sub3A_61, %mul3A_59 : vector<1x800xf32>
    %neg3A_63 = arith.constant 0.000000e+00 : f32
    %neg3A_64 = vector.broadcast %neg3A_63 : f32 to vector<1x800xf32>
    %neg3A_65 = arith.subf %neg3A_64, %sin3A : vector<1x800xf32>
    %mul3A_66 = arith.mulf %neg3A_65, %mul3A_30 : vector<1x800xf32>
    %mul3A_67 = arith.mulf %sub3A_34, %mul3A_31 : vector<1x800xf32>
    %mul3A_68 = arith.mulf %mul3A_67, %mul3A_32 : vector<1x800xf32>
    %add3A_69 = arith.addf %mul3A_66, %mul3A_68 : vector<1x800xf32>
    %neg3A_70 = arith.constant 0.000000e+00 : f32
    %neg3A_71 = vector.broadcast %neg3A_70 : f32 to vector<1x800xf32>
    %neg3A_72 = arith.subf %neg3A_71, %sin3A : vector<1x800xf32>
    %mul3A_73 = arith.mulf %neg3A_72, %mul3A_31 : vector<1x800xf32>
    %mul3A_74 = arith.mulf %sub3A_34, %mul3A_30 : vector<1x800xf32>
    %mul3A_75 = arith.mulf %mul3A_74, %mul3A_32 : vector<1x800xf32>
    %add3A_76 = arith.addf %mul3A_73, %mul3A_75 : vector<1x800xf32>
    %mul3A_77 = arith.mulf %sin3A, %mul3A_30 : vector<1x800xf32>
    %mul3A_78 = arith.mulf %sub3A_34, %mul3A_31 : vector<1x800xf32>
    %mul3A_79 = arith.mulf %mul3A_78, %mul3A_32 : vector<1x800xf32>
    %add3A_80 = arith.addf %mul3A_77, %mul3A_79 : vector<1x800xf32>
    %mul3A_81 = arith.mulf %mul3A_30, %mul3A_30 : vector<1x800xf32>
    %mul3A_82 = arith.mulf %mul3A_31, %mul3A_31 : vector<1x800xf32>
    %add3A_83 = arith.addf %mul3A_81, %mul3A_82 : vector<1x800xf32>
    %mul3A_84 = arith.mulf %sub3A_34, %add3A_83 : vector<1x800xf32>
    %sub3A_85 = arith.constant 1.000000e+00 : f32
    %sub3A_86 = vector.broadcast %sub3A_85 : f32 to vector<1x800xf32>
    %sub3A_87 = arith.subf %sub3A_86, %mul3A_84 : vector<1x800xf32>
    %mul3A_88 = arith.mulf %slice3A, %sub3A_41 : vector<1x800xf32>
    %mul3A_89 = arith.mulf %slice3A_2, %add3A_55 : vector<1x800xf32>
    %add3A_90 = arith.addf %mul3A_88, %mul3A_89 : vector<1x800xf32>
    %mul3A_91 = arith.mulf %slice3A_3, %add3A_76 : vector<1x800xf32>
    %add3A_92 = arith.addf %add3A_90, %mul3A_91 : vector<1x800xf32>
    %mul3A_93 = arith.mulf %slice3A, %add3A_47 : vector<1x800xf32>
    %mul3A_94 = arith.mulf %slice3A_2, %sub3A_62 : vector<1x800xf32>
    %add3A_95 = arith.addf %mul3A_93, %mul3A_94 : vector<1x800xf32>
    %mul3A_96 = arith.mulf %slice3A_3, %add3A_80 : vector<1x800xf32>
    %add3A_97 = arith.addf %add3A_95, %mul3A_96 : vector<1x800xf32>
    %mul3A_98 = arith.mulf %slice3A, %add3A_51 : vector<1x800xf32>
    %mul3A_99 = arith.mulf %slice3A_2, %add3A_69 : vector<1x800xf32>
    %add3A_100 = arith.addf %mul3A_98, %mul3A_99 : vector<1x800xf32>
    %mul3A_101 = arith.mulf %slice3A_3, %sub3A_87 : vector<1x800xf32>
    %add3A_102 = arith.addf %add3A_100, %mul3A_101 : vector<1x800xf32>
    %mul3A_103 = arith.mulf %slice3A_4, %sub3A_41 : vector<1x800xf32>
    %mul3A_104 = arith.mulf %slice3A_5, %add3A_55 : vector<1x800xf32>
    %add3A_105 = arith.addf %mul3A_103, %mul3A_104 : vector<1x800xf32>
    %mul3A_106 = arith.mulf %slice3A_6, %add3A_76 : vector<1x800xf32>
    %add3A_107 = arith.addf %add3A_105, %mul3A_106 : vector<1x800xf32>
    %mul3A_108 = arith.mulf %slice3A_4, %add3A_47 : vector<1x800xf32>
    %mul3A_109 = arith.mulf %slice3A_5, %sub3A_62 : vector<1x800xf32>
    %add3A_110 = arith.addf %mul3A_108, %mul3A_109 : vector<1x800xf32>
    %mul3A_111 = arith.mulf %slice3A_6, %add3A_80 : vector<1x800xf32>
    %add3A_112 = arith.addf %add3A_110, %mul3A_111 : vector<1x800xf32>
    %mul3A_113 = arith.mulf %slice3A_4, %add3A_51 : vector<1x800xf32>
    %mul3A_114 = arith.mulf %slice3A_5, %add3A_69 : vector<1x800xf32>
    %add3A_115 = arith.addf %mul3A_113, %mul3A_114 : vector<1x800xf32>
    %mul3A_116 = arith.mulf %slice3A_6, %sub3A_87 : vector<1x800xf32>
    %add3A_117 = arith.addf %add3A_115, %mul3A_116 : vector<1x800xf32>
    %mul3A_118 = arith.mulf %slice3A_7, %sub3A_41 : vector<1x800xf32>
    %mul3A_119 = arith.mulf %slice3A_8, %add3A_55 : vector<1x800xf32>
    %add3A_120 = arith.addf %mul3A_118, %mul3A_119 : vector<1x800xf32>
    %mul3A_121 = arith.mulf %slice3A_9, %add3A_76 : vector<1x800xf32>
    %add3A_122 = arith.addf %add3A_120, %mul3A_121 : vector<1x800xf32>
    %mul3A_123 = arith.mulf %slice3A_7, %add3A_47 : vector<1x800xf32>
    %mul3A_124 = arith.mulf %slice3A_8, %sub3A_62 : vector<1x800xf32>
    %add3A_125 = arith.addf %mul3A_123, %mul3A_124 : vector<1x800xf32>
    %mul3A_126 = arith.mulf %slice3A_9, %add3A_80 : vector<1x800xf32>
    %add3A_127 = arith.addf %add3A_125, %mul3A_126 : vector<1x800xf32>
    %mul3A_128 = arith.mulf %slice3A_7, %add3A_51 : vector<1x800xf32>
    %mul3A_129 = arith.mulf %slice3A_8, %add3A_69 : vector<1x800xf32>
    %add3A_130 = arith.addf %mul3A_128, %mul3A_129 : vector<1x800xf32>
    %mul3A_131 = arith.mulf %slice3A_9, %sub3A_87 : vector<1x800xf32>
    %add3A_132 = arith.addf %add3A_130, %mul3A_131 : vector<1x800xf32>
    %mul3A_133 = arith.mulf %slice3A, %slice3A_16 : vector<1x800xf32>
    %mul3A_134 = arith.mulf %slice3A_2, %slice3A_17 : vector<1x800xf32>
    %add3A_135 = arith.addf %mul3A_133, %mul3A_134 : vector<1x800xf32>
    %mul3A_136 = arith.mulf %slice3A_3, %slice3A_18 : vector<1x800xf32>
    %add3A_137 = arith.addf %add3A_135, %mul3A_136 : vector<1x800xf32>
    %add3A_138 = arith.addf %add3A_137, %slice3A_10 : vector<1x800xf32>
    %mul3A_139 = arith.mulf %slice3A_4, %slice3A_16 : vector<1x800xf32>
    %mul3A_140 = arith.mulf %slice3A_5, %slice3A_17 : vector<1x800xf32>
    %add3A_141 = arith.addf %mul3A_139, %mul3A_140 : vector<1x800xf32>
    %mul3A_142 = arith.mulf %slice3A_6, %slice3A_18 : vector<1x800xf32>
    %add3A_143 = arith.addf %add3A_141, %mul3A_142 : vector<1x800xf32>
    %add3A_144 = arith.addf %add3A_143, %slice3A_11 : vector<1x800xf32>
    %mul3A_145 = arith.mulf %slice3A_7, %slice3A_16 : vector<1x800xf32>
    %mul3A_146 = arith.mulf %slice3A_8, %slice3A_17 : vector<1x800xf32>
    %add3A_147 = arith.addf %mul3A_145, %mul3A_146 : vector<1x800xf32>
    %mul3A_148 = arith.mulf %slice3A_9, %slice3A_18 : vector<1x800xf32>
    %add3A_149 = arith.addf %add3A_147, %mul3A_148 : vector<1x800xf32>
    %add3A_150 = arith.addf %add3A_149, %slice3A_12 : vector<1x800xf32>
    %get3A_151 = arith.constant 0 : index
    %get3A_152 = vector.load %arg2[%get3A_151] : memref<800xf32, #tpu.memory_space<vmem>>, vector<800xf32>
    %reshape3A = vector.shape_cast %get3A_152 : vector<800xf32> to vector<1x800xf32>
    %div3A_153 = arith.constant 1.000000e+00 : f32
    %div3A_154 = vector.broadcast %div3A_153 : f32 to vector<1x800xf32>
    %div3A_155 = arith.divf %div3A_154, %reshape3A : vector<1x800xf32>
    %get3A_156 = arith.constant 0 : index
    %get3A_157 = vector.load %arg3[%get3A_156] : memref<800xf32, #tpu.memory_space<vmem>>, vector<800xf32>
    %reshape3A_158 = vector.shape_cast %get3A_157 : vector<800xf32> to vector<1x800xf32>
    %div3A_159 = arith.constant 1.000000e+00 : f32
    %div3A_160 = vector.broadcast %div3A_159 : f32 to vector<1x800xf32>
    %div3A_161 = arith.divf %div3A_160, %reshape3A_158 : vector<1x800xf32>
    %get3A_162 = arith.constant 0 : index
    %get3A_163 = vector.load %arg4[%get3A_162] : memref<800xf32, #tpu.memory_space<vmem>>, vector<800xf32>
    %reshape3A_164 = vector.shape_cast %get3A_163 : vector<800xf32> to vector<1x800xf32>
    %get3A_165 = arith.constant 0 : index
    %get3A_166 = vector.load %arg5[%get3A_165] : memref<800xf32, #tpu.memory_space<vmem>>, vector<800xf32>
    %reshape3A_167 = vector.shape_cast %get3A_166 : vector<800xf32> to vector<1x800xf32>
    %mul3A_168 = arith.mulf %add3A_92, %div3A_155 : vector<1x800xf32>
    %mul3A_169 = arith.mulf %add3A_107, %div3A_155 : vector<1x800xf32>
    %mul3A_170 = arith.mulf %add3A_122, %div3A_155 : vector<1x800xf32>
    %neg3A_171 = arith.constant 0.000000e+00 : f32
    %neg3A_172 = vector.broadcast %neg3A_171 : f32 to vector<1x800xf32>
    %neg3A_173 = arith.subf %neg3A_172, %add3A_97 : vector<1x800xf32>
    %mul3A_174 = arith.mulf %neg3A_173, %div3A_161 : vector<1x800xf32>
    %neg3A_175 = arith.constant 0.000000e+00 : f32
    %neg3A_176 = vector.broadcast %neg3A_175 : f32 to vector<1x800xf32>
    %neg3A_177 = arith.subf %neg3A_176, %add3A_112 : vector<1x800xf32>
    %mul3A_178 = arith.mulf %neg3A_177, %div3A_161 : vector<1x800xf32>
    %neg3A_179 = arith.constant 0.000000e+00 : f32
    %neg3A_180 = vector.broadcast %neg3A_179 : f32 to vector<1x800xf32>
    %neg3A_181 = arith.subf %neg3A_180, %add3A_127 : vector<1x800xf32>
    %mul3A_182 = arith.mulf %neg3A_181, %div3A_161 : vector<1x800xf32>
    %sub3A_183 = arith.constant 5.000000e-01 : f32
    %sub3A_184 = vector.broadcast %sub3A_183 : f32 to vector<1x800xf32>
    %sub3A_185 = arith.subf %sub3A_184, %reshape3A_164 : vector<1x800xf32>
    %mul3A_186 = arith.mulf %mul3A_168, %sub3A_185 : vector<1x800xf32>
    %sub3A_187 = arith.constant 5.000000e-01 : f32
    %sub3A_188 = vector.broadcast %sub3A_187 : f32 to vector<1x800xf32>
    %sub3A_189 = arith.subf %sub3A_188, %reshape3A_167 : vector<1x800xf32>
    %mul3A_190 = arith.mulf %mul3A_174, %sub3A_189 : vector<1x800xf32>
    %add3A_191 = arith.addf %mul3A_186, %mul3A_190 : vector<1x800xf32>
    %sub3A_192 = arith.subf %add3A_191, %add3A_102 : vector<1x800xf32>
    %sub3A_193 = arith.constant 5.000000e-01 : f32
    %sub3A_194 = vector.broadcast %sub3A_193 : f32 to vector<1x800xf32>
    %sub3A_195 = arith.subf %sub3A_194, %reshape3A_164 : vector<1x800xf32>
    %mul3A_196 = arith.mulf %mul3A_169, %sub3A_195 : vector<1x800xf32>
    %sub3A_197 = arith.constant 5.000000e-01 : f32
    %sub3A_198 = vector.broadcast %sub3A_197 : f32 to vector<1x800xf32>
    %sub3A_199 = arith.subf %sub3A_198, %reshape3A_167 : vector<1x800xf32>
    %mul3A_200 = arith.mulf %mul3A_178, %sub3A_199 : vector<1x800xf32>
    %add3A_201 = arith.addf %mul3A_196, %mul3A_200 : vector<1x800xf32>
    %sub3A_202 = arith.subf %add3A_201, %add3A_117 : vector<1x800xf32>
    %sub3A_203 = arith.constant 5.000000e-01 : f32
    %sub3A_204 = vector.broadcast %sub3A_203 : f32 to vector<1x800xf32>
    %sub3A_205 = arith.subf %sub3A_204, %reshape3A_164 : vector<1x800xf32>
    %mul3A_206 = arith.mulf %mul3A_170, %sub3A_205 : vector<1x800xf32>
    %sub3A_207 = arith.constant 5.000000e-01 : f32
    %sub3A_208 = vector.broadcast %sub3A_207 : f32 to vector<1x800xf32>
    %sub3A_209 = arith.subf %sub3A_208, %reshape3A_167 : vector<1x800xf32>
    %mul3A_210 = arith.mulf %mul3A_182, %sub3A_209 : vector<1x800xf32>
    %add3A_211 = arith.addf %mul3A_206, %mul3A_210 : vector<1x800xf32>
    %sub3A_212 = arith.subf %add3A_211, %add3A_132 : vector<1x800xf32>
    %concatenate3A = tpu.concatenate %mul3A_168, %mul3A_169, %mul3A_170, %mul3A_174, %mul3A_178, %mul3A_182, %sub3A_192, %sub3A_202, %sub3A_212, %add3A_138, %add3A_144, %add3A_150 in 0 : vector<1x800xf32>, vector<1x800xf32>, vector<1x800xf32>, vector<1x800xf32>, vector<1x800xf32>, vector<1x800xf32>, vector<1x800xf32>, vector<1x800xf32>, vector<1x800xf32>, vector<1x800xf32>, vector<1x800xf32>, vector<1x800xf32> -> vector<12x800xf32>
    %swap3A = arith.constant 0 : index
    %swap3A_213 = arith.constant 0 : index
    %swap3A_214 = vector.load %arg6[%swap3A, %swap3A_213] : memref<12x800xf32, #tpu.memory_space<vmem>>, vector<12x800xf32>
    tpu.vector_store %arg6[%swap3A, %swap3A_213], %concatenate3A {strides = array<i32>} : memref<12x800xf32, #tpu.memory_space<vmem>>, vector<12x800xf32>,
    return
  }
}

</mosaic_0001>

<sc_bundles>
// kernel: kernel.4.cloned.1.call-start
scs
__scs_entry_jumppad:
0x0: {  	(pc) =	sbr.rel $0x88, $3  }
0x1: {  	(tag) =	ssettag $0x0;
	lr =	simm.s32 $0x1  }
0x2: {  	[smem:$0x3F9A] =	sst lr;
	_ =	strace $0xD0000000  }
0x3: {  	_ = 	snop  }
0x4: {  	_ = 	snop  }
0x5: {  	_ = 	snop  }
0x6: {  	_ = 	snop  }
0x7: {  	_ = 	snop  }
__scs_overlays_trampoline_lowered:
0x8: {  	[smem:$0x3FA9] =	sst s0  }
0x9: {  	[smem:$0x3FAA] =	sst s1  }
0xa: {  	[smem:$0x3FAB] =	sst s2  }
0xb: {  	[smem:$0x3FAC] =	sst s3  }
0xc: {  	[smem:$0x3FAD] =	sst s4  }
0xd: {  	[smem:$0x3FAE] =	sst s5  }
0xe: {  	[smem:$0x3FAF] =	sst s6  }
0xf: {  	[smem:$0x3FB0] =	sst s7  }
0x10: {  	[smem:$0x3FB1] =	sst s8  }
0x11: {  	[smem:$0x3FB2] =	sst s9;
	s0 =	simm.s32 @!p0 $0x0  }
0x12: {  	s1 =	sld [smem:$0x3F98];
	s0 =	simm.s32 @p0 $0x1  }
0x13: {  	[smem:$0x3FB3] =	sst s0;
	s0 =	simm.s32 @!p1 $0x0  }
0x14: {  	s2 =	sld [smem:$0x3F97];
	s0 =	simm.s32 @p1 $0x1  }
0x15: {  	[smem:$0x3FB4] =	sst s0;
	s0 =	simm.s32 @!p2 $0x0  }
0x16: {  	s3 =	sld [smem:$0x3FDB];
	s0 =	simm.s32 @p2 $0x1  }
0x17: {  	s4 =	simm.s32 $0x1BF5;
	[smem:$0x3FB6] =	sst s0  }
0x18: {  	s0 =	sld [smem:$0x3F99];
	_ =	swait.ge [sflag:s4], $0x0  }
0x19: {  	s7 =	sld [smem:$0x3F9A]  }
0x1a: {  	s8 =	sadd.s32 $0xFFFFE003, lr  }
0x1b: {  	s9 =	sadd.s32 $0xFFFFFEF7, lr;
	s5 =	simm.s32 $0xFFFFFFFF;
	p2 =	slt.u32 s8, $0xFFFFF086  }
0x1c: {  	p1 =	slt.u32 s9, $0xF7A;
	s5 =	simm.s32 @!p2 $0x0  }
0x1d: {  	s5 =	simm.s32 @p1 $0x1;
	p0 =	seq.s32 s7, s2  }
0x1e: {  	s7 =	smul.u32 @!p0 $0xF7A, s2;
	p2 =	seq.s32 @!p0 s5, $0x0  }
0x1f: {  	s9 =	smul.u32 $0xF7A, s1;
	s8 =	simm.s32 @!p0 $0x1BF5;
	p2 =	por !p2, p0  }
0x20: {  	[sflag:s8] =	ssyncset.s32 @!p0 $0xFFFFF086;
	s6 =	sadd.s32 @!p0 s3, s7;
	s7 =	simm.s32 @!p0 $0x108  }
0x21: {  	s3 =	sadd.s32 s3, s9;
	s6 =	sadd.s32 @!p0 $0x88, s6;
	s7 =	simm.s32 @p2 $0x1082  }
0x22: {  	[simem:s7], [sflag:s8] =	dma.local @!p0 [hbm:s6], $0xF7A  }
0x23: {  	s9 =	sor.u32 $0xD0000000, s2;
	s6 =	simm.s32 $0x108;
	_ =	swait.ge @!p0 [sflag:s8], $0x0  }
0x24: {  	s3 =	sadd.s32 $0x88, s3;
	s6 =	simm.s32 @!p1 $0x1082;
	[sflag:s4] =	ssyncset.s32 $0xFFFFF086  }
0x25: {  	[simem:s6], [sflag:s4] =	dma.local [hbm:s3], $0xF7A  }
0x26: {  	[smem:$0x3F9A] =	sst s1;
	(tag) =	ssettag s2;
	_ =	strace s9  }
0x27: {  	s1 =	sld [smem:$0x3FAA]  }
0x28: {  	s2 =	sld [smem:$0x3FAB]  }
0x29: {  	s4 =	sld [smem:$0x3FAD]  }
0x2a: {  	p0 =	seq.s32 s5, $0x0;
	s5 =	sld [smem:$0x3FAE]  }
0x2b: {  	s6 =	sld [smem:$0x3FAF]  }
0x2c: {  	s7 =	sld [smem:$0x3FB0]  }
0x2d: {  	s3 =	simm.s32 $0x108;
	s8 =	sld [smem:$0x3FB1]  }
0x2e: {  	s3 =	simm.s32 @!p0 $0x1082;
	s9 =	sld [smem:$0x3FB2]  }
0x2f: {  	lr =	sadd.s32 s0, s3;
	s0 =	sld [smem:$0x3FA9]  }
0x30: {  	s3 =	sld [smem:$0x3FAC]  }
0x31: {  	[smem:$0x3FB5] =	sst s10  }
0x32: {  	s10 =	sld [smem:$0x3FB3];
	_ =	sdelay $0x3  }
0x33: {  	p0 =	seq.s32 s10, $0x1;
	s10 =	sld [smem:$0x3FB5];
	_ =	sdelay $0x3  }
0x34: {  	[smem:$0x3FB5] =	sst s10  }
0x35: {  	s10 =	sld [smem:$0x3FB4];
	_ =	sdelay $0x3  }
0x36: {  	p1 =	seq.s32 s10, $0x1;
	s10 =	sld [smem:$0x3FB5];
	_ =	sdelay $0x3  }
0x37: {  	[smem:$0x3FB5] =	sst s10  }
0x38: {  	s10 =	sld [smem:$0x3FB6]  }
0x39: {  	_ = 	snop;
	(pc) =	sbr.ind lr, $3  }
0x3a: {  	_ = 	snop  }
0x3b: {  	_ = 	snop  }
0x3c: {  	p2 =	seq.s32 s10, $0x1;
	s10 =	sld [smem:$0x3FB5]  }
0x3d: {  	_ =	shalt  }
0x3e: {  	_ =	shalt  }
0x3f: {  	_ =	shalt  }
0x40: {  	_ =	shalt  }
0x41: {  	_ =	shalt  }
0x42: {  	_ =	shalt  }
0x43: {  	_ =	shalt  }
0x44: {  	_ =	shalt  }
0x45: {  	_ =	shalt  }
0x46: {  	_ =	shalt  }
0x47: {  	_ =	shalt  }
0x48: {  	_ =	shalt  }
0x49: {  	_ =	shalt  }
0x4a: {  	_ =	shalt  }
0x4b: {  	_ =	shalt  }
0x4c: {  	_ =	shalt  }
0x4d: {  	_ =	shalt  }
0x4e: {  	_ =	shalt  }
0x4f: {  	_ =	shalt  }
0x50: {  	_ =	shalt  }
0x51: {  	_ =	shalt  }
0x52: {  	_ =	shalt  }
0x53: {  	_ =	shalt  }
0x54: {  	_ =	shalt  }
0x55: {  	_ =	shalt  }
0x56: {  	_ =	shalt  }
0x57: {  	_ =	shalt  }
0x58: {  	_ =	shalt  }
0x59: {  	_ =	shalt  }
0x5a: {  	_ =	shalt  }
0x5b: {  	_ =	shalt  }
0x5c: {  	_ =	shalt  }
0x5d: {  	_ =	shalt  }
0x5e: {  	_ =	shalt  }
0x5f: {  	_ =	shalt  }
0x60: {  	_ =	shalt  }
0x61: {  	_ =	shalt  }
0x62: {  	_ =	shalt  }
0x63: {  	_ =	shalt  }
0x64: {  	_ =	shalt  }
0x65: {  	_ =	shalt  }
0x66: {  	_ =	shalt  }
0x67: {  	_ =	shalt  }
0x68: {  	_ =	shalt  }
0x69: {  	_ =	shalt  }
0x6a: {  	_ =	shalt  }
0x6b: {  	_ =	shalt  }
0x6c: {  	_ =	shalt  }
0x6d: {  	_ =	shalt  }
0x6e: {  	_ =	shalt  }
0x6f: {  	_ =	shalt  }
0x70: {  	_ =	shalt  }
0x71: {  	_ =	shalt  }
0x72: {  	_ =	shalt  }
0x73: {  	_ =	shalt  }
0x74: {  	_ =	shalt  }
0x75: {  	_ =	shalt  }
0x76: {  	_ =	shalt  }
0x77: {  	_ =	shalt  }
0x78: {  	_ =	shalt  }
0x79: {  	_ =	shalt  }
0x7a: {  	_ =	shalt  }
0x7b: {  	_ =	shalt  }
0x7c: {  	_ =	shalt  }
0x7d: {  	_ =	shalt  }
0x7e: {  	_ =	shalt  }
0x7f: {  	_ =	shalt  }
0x80: {  	_ =	shalt  }
0x81: {  	_ =	shalt  }
0x82: {  	_ =	shalt  }
0x83: {  	_ =	shalt  }
0x84: {  	_ =	shalt  }
0x85: {  	_ =	shalt  }
0x86: {  	_ =	shalt  }
0x87: {  	_ =	shalt  }
.Lfunc_end0:
.L_simem_size_0:
called_computation_lowered:
.L_overlay_start_0:
0x88: {  	s2 =	sld [smem:$0x3FD9]  }
0x89: {  	s3 =	sld [smem:$0x3FFE];
	_ =	sdelay $0x1  }
0x8a: {  	s1 =	srdreg.scid  }
0x8b: {  	s0 =	sand.u32 $0x1, s1  }
0x8c: {  	s14 =	sshll.u32 s0, $0xA;
	s2 =	sadd.s32 s3, s2  }
0x8d: {  	s2 =	sadd.s32 s2, s14  }
0x8e: {  	[smem:$0x3FC1] =	sst s2  }
0x8f: {  	_ = 	snop  }
0x90: {  	s2 =	sld [smem:$0x3FD0];
	_ =	sdelay $0x2  }
0x91: {  	s15 =	simm.s32 $0xA;
	s4 =	simm.s32 $0x10  }
0x92: {  	[smem:s4], [sflag:s15] =	dma.local [hbm:s2], $0x1  }
0x93: {  	_ =	swait.eq [sflag:s15], $0x1  }
0x94: {  	[sflag:s15] =	ssyncset.done $0x0  }
0x95: {  	s16 =	sld [smem:$0x10];
	[sflag:s15] =	ssyncadd.s32 $0xFFFFFFFF  }
0x96: {  	s17 =	sld [smem:$0x11];
	(tm) =	ssettm $0x1  }
0x97: {  	s18 =	sld [smem:$0x3FFB];
	_ =	sdelay $0x3  }
0x98: {  	_ =	strace s18  }
0x99: {  	s4 =	sld [smem:$0x3FFC];
	_ =	sdelay $0x3  }
0x9a: {  	_ =	strace s4  }
0x9b: {  	s4 =	sld [smem:$0x3FFD];
	_ =	sdelay $0x3  }
0x9c: {  	_ =	strace s4  }
0x9d: {  	_ =	strace $0x8FFFFFFF  }
0x9e: {  	s19 =	sld [smem:$0x3FDB];
	_ =	sdelay $0x1  }
0x9f: {  	s5 =	simm.s32 $_scs_section_size  }
0xa0: {  	s6 =	simm.s32 $_size__tile_overlayer_lowered;
	s7 =	simm.s32 $_tile_overlayer_lowered  }
0xa1: {  	s22 =	simm.s32 $0x1BFF;
	s21 =	sshll.u32 s7, $0x1;
	s4 =	sadd.s32 s5, s19  }
0xa2: {  	s8 =	simm.s32 $0x0;
	s20 =	sshll.u32 s6, $0x1;
	s6 =	sadd.s32 s21, s4  }
0xa3: {  	[timem:s8], [sflag:s22] =	dma.local [hbm:s6], s20  }
0xa4: {  	_ =	swait.ge [sflag:s22], s20  }
0xa5: {  	s5 =	ssub.s32 $0x0, s20;
	[sflag:s22] =	ssyncset.done $0x0  }
0xa6: {  	[sflag:s22] =	ssyncadd.s32 s5;
	_ =	sdelay $0x1  }
0xa7: {  	s23 =	simm.s32 $0x1B8B  }
0xa8: {  	_ =	swait.ge [sflag:s23], $0x1  }
0xa9: {  	[sflag:s23] =	ssyncset.done $0x0  }
0xaa: {  	s25 =	simm.s32 $0x1B8E;
	s24 =	sld [smem:$0x3FFE];
	[sflag:s23] =	ssyncadd.s32 $0xFFFFFFFF  }
0xab: {  	s26 =	simm.s32 $execute0_lowered;
	[smem:$0x3FD2] =	sst s25  }
0xac: {  	s6 =	sshll.u32 s26, $0x1;
	_ =	strace $0x80000046;
	[dreg:$0x1] =	wrdreg $0xFFFFFFFF  }
0xad: {  	s28 =	simm.s32 $_size_execute0_lowered;
	s4 =	sadd.s32 s4, s6;
	[dreg:$0x0] =	wrdreg $0x0  }
0xae: {  	s6 =	sshll.u32 s28, $0x1;
	[dreg:$0x2] =	wrdreg s4  }
0xaf: {  	[dreg:$0x3] =	wrdreg s6  }
0xb0: {  	[dreg:$0x4] =	wrdreg $0xC0  }
0xb1: {  	_ =	task [dreg:s8], $0x5FFFF  }
0xb2: {  	[dreg:$0x1] =	wrdreg $0xFFFFFFFF  }
0xb3: {  	[dreg:$0x0] =	wrdreg $0x60  }
0xb4: {  	[dreg:$0x2] =	wrdreg s16  }
0xb5: {  	[dreg:$0x3] =	wrdreg s17  }
0xb6: {  	[dreg:$0x4] =	wrdreg s24  }
0xb7: {  	[dreg:$0x5] =	wrdreg $0x9  }
0xb8: {  	_ =	task.clear_ibuf [dreg:s8], $0x6FFFF;
	_ =	strace $0x90000046  }
0xb9: {  	s29 =	simm.s32 $0x9;
	_ =	strace $0x80000048  }
0xba: {  	_ =	swait.ge [sflag:s29], $0x1  }
0xbb: {  	[sflag:s29] =	ssyncadd.s32 $0xFFFFFFFF  }
0xbc: {  	_ =	strace $0x90000048  }
0xbd: {  	_ =	sfence  }
0xbe: {  	s30 =	sld [smem:$0x0];
	_ =	sdelay $0x2  }
0xbf: {  	s31 =	sshll.u32 s1, $0xD;
	s1 =	sshrl.u32 s1, $0x2  }
0xc0: {  	s3 =	sand.u32 $0x4000, s31;
	s1 =	sadd.s32 s1, s30  }
0xc1: {  	s0 =	sor.u32 s3, s0;
	s1 =	sshll.u32 s1, $0x11  }
0xc2: {  	s0 =	sor.u32 s1, s0  }
0xc3: {  	s0 =	sadd.s32 $0x8F2B, s0  }
0xc4: {  	[sflag:s0] =	ssyncadd.remote.s32 $0x1  }
0xc5: {  	_ =	sfence.sel $0xFFFF  }
0xc6: {  	[dreg:$0x0] =	wrdreg $0xFFFFFFFF;
	(pc) =	sbr.abs _section_cstart, $3  }
0xc7: {  	[dreg:$0x1] =	wrdreg $0xFFFFFFFF  }
0xc8: {  	_ =	task.clear_ibuf [dreg:s8], $0x2FFFF;
	_ =	strace $0x9FFFFFFF  }
0xc9: {  	(tm) =	ssettm $0x7FFFFFFF  }
tec
execute0_lowered:
.L_overlay_start_1:
0x0: {  	(tag) =	ssettag $0x1  }
0x1: {  	s1 =	rddreg [dreg:$0x0]  }
0x2: {  	s6 =	rddreg [dreg:$0x1]  }
0x3: {  	s4 =	rddreg [dreg:$0x2]  }
0x4: {  	s0 =	rddreg [dreg:$0x3];
	s2 =	simm.s32 $0x0  }
0x5: {  	s5 =	srdreg.scid;
	s3 =	stileid.u32;
	s15 =	simm.s32 $0x2580  }
0x6: {  	s16 =	simm.s32 $0x2D80;
	s17 =	simm.s32 $0x3580;
	s18 =	simm.s32 $0x3D80  }
0x7: {  	s19 =	simm.s32 $0x5580;
	s20 =	simm.s32 $0x4580;
	s21 =	simm.s32 $0x5D80  }
0x8: {  	s22 =	simm.s32 $0x4D80;
	s23 =	simm.s32 $0x6580;
	s24 =	simm.s32 $0x0  }
0x9: {  	[smem:$0x7FF] =	sst s2;
	s11 =	sadd.s32 $0x1400, s4;
	s5 =	sand.u32 $0x1, s5  }
0xa: {  	s8 =	sshll.u32 s3, $0x9;
	s7 =	ssub.s32 $0x2, s5;
	s5 =	sshll.u32 s5, $0x8  }
0xb: {  	s12 =	sadd.s32 $0x7400, s4;
	s31 =	sshrl.u32 s7, $0x1;
	s8 =	sor.u32 s5, s8  }
0xc: {  	_ =	strace $0x80000047;
	s13 =	ssub.s32 s7, s31;
	s10 =	sor.u32 $0x2000, s8  }
0xd: {  	s14 =	sor.u32 $0x4000, s8;
	s4 =	sadd.s32 s6, s8;
	s7 =	sadd.s32 s11, s8  }
0xe: {  	s8 =	sadd.s32 s12, s8;
	s5 =	sadd.s32 s6, s10;
	s6 =	sadd.s32 s6, s14  }
0xf: {  	s9 =	sadd.s32 s11, s10;
	s10 =	sadd.s32 s12, s10;
	s11 =	sadd.s32 s11, s14  }
0x10: {  	s12 =	sadd.s32 s12, s14;
	s13 =	smax.u32 s13, $0x1;
	s14 =	simm.s32 $0x1  }
.LBB2_1:
0x11: {  	[tilespmem:s2], [sflag:$0x1] =	stream.linear.gather [hbm4b:s1+s2], $0x2580, $0x38;
	[tilespmem:$0x6D80] =	vst v63  }
0x12: {  	_ =	swait.ge [sflag:s14], $0x2580  }
0x13: {  	[sflag:s14] =	ssyncset.done $0x0  }
0x14: {  	[sflag:s14] =	ssyncadd.s32 $0xFFFFDA80  }
0x15: {  	[tilespmem:s15], [sflag:$0x1] =	stream.linear.gather [hbm4b:s4+s2], $0x800, $0x38;
	[tilespmem:$0x6D80] =	vst v63  }
0x16: {  	_ =	swait.ge [sflag:s14], $0x800  }
0x17: {  	[sflag:s14] =	ssyncset.done $0x0  }
0x18: {  	[sflag:s14] =	ssyncadd.s32 $0xFFFFF800  }
0x19: {  	[tilespmem:s16], [sflag:$0x1] =	stream.linear.gather [hbm4b:s5+s2], $0x800, $0x38;
	[tilespmem:$0x6D80] =	vst v63  }
0x1a: {  	_ =	swait.ge [sflag:s14], $0x800  }
0x1b: {  	[sflag:s14] =	ssyncset.done $0x0  }
0x1c: {  	[sflag:s14] =	ssyncadd.s32 $0xFFFFF800  }
0x1d: {  	[tilespmem:s17], [sflag:$0x1] =	stream.linear.gather [hbm4b:s6+s2], $0x800, $0x38;
	[tilespmem:$0x6D80] =	vst v63  }
0x1e: {  	_ =	swait.ge [sflag:s14], $0x800  }
0x1f: {  	[sflag:s14] =	ssyncset.done $0x0  }
0x20: {  	s25 =	simm.s32 $0x2DA0;
	[sflag:s14] =	ssyncadd.s32 $0xFFFFF800  }
0x21: {  	v0 =	vld [tilespmem:s25+$0xFFFFF810]  }
0x22: {  	v10 =	vld [tilespmem:s25+$0xFFFFF7F0]  }
0x23: {  	v9 =	vld [tilespmem:s25+$0xFFFFF800]  }
0x24: {  	v1 =	vld [tilespmem:s25+$0xFFFFF7E0]  }
0x25: {  	v2 =	vld [tilespmem:s25+$0xFFFFFFE0]  }
0x26: {  	v3 =	vld [tilespmem:s25+$0x7E0]  }
0x27: {  	v5 =	vld [tilespmem:s25+$0xFFFFFFF0]  }
0x28: {  	v7 =	vld [tilespmem:s25+$0x10]  }
0x29: {  	v11 =	vld [tilespmem:s25+$0x810]  }
0x2a: {  	v18 =	vld [tilespmem:s25+$0x7F0]  }
0x2b: {  	v24 =	vld [tilespmem:s25+$0x0]  }
0x2c: {  	v29 =	vld [tilespmem:s25+$0x800];
	v4 =	vadd.s32 $0x640, v0  }
0x2d: {  	v6 =	vadd.s32 $0x960, v0;
	v13 =	vld.idx.msk [tilespmem:v0+s2+$0x0], $0xffff  }
0x2e: {  	v8 =	vadd.s32 $0x320, v0;
	v36 =	vld.idx.msk [tilespmem:v1+s2+$0x0], $0xffff  }
0x2f: {  	v12 =	vadd.s32 $0xC80, v0;
	v39 =	vld.idx.msk [tilespmem:v10+s2+$0x0], $0xffff  }
0x30: {  	v14 =	vadd.s32 $0xFA0, v0;
	v44 =	vld.idx.msk [tilespmem:v9+s2+$0x0], $0xffff  }
0x31: {  	v15 =	vadd.s32 $0x12C0, v0;
	v4 =	vld.idx.msk [tilespmem:v4+s2+$0x0], $0xffff  }
0x32: {  	v16 =	vadd.s32 $0x15E0, v0;
	v6 =	vld.idx.msk [tilespmem:v6+s2+$0x0], $0xffff  }
0x33: {  	v17 =	vadd.s32 $0x1900, v0;
	v19 =	vadd.s32 $0x960, v1;
	v20 =	vadd.s32 $0x320, v1;
	v8 =	vld.idx.msk [tilespmem:v8+s2+$0x0], $0xffff  }
0x34: {  	v21 =	vadd.s32 $0x960, v10;
	v22 =	vadd.s32 $0x320, v10;
	v23 =	vadd.s32 $0xC80, v1;
	v12 =	vld.idx.msk [tilespmem:v12+s2+$0x0], $0xffff  }
0x35: {  	v25 =	vadd.s32 $0xC80, v10;
	v7 =	vcvt.s32.f32 v7;
	v11 =	vcvt.s32.f32 v11;
	v14 =	vld.idx.msk [tilespmem:v14+s2+$0x0], $0xffff  }
0x36: {  	v26 =	vadd.s32 $0x960, v9;
	v27 =	vadd.s32 $0x320, v9;
	v28 =	vadd.s32 $0x640, v1;
	v15 =	vld.idx.msk [tilespmem:v15+s2+$0x0], $0xffff  }
0x37: {  	v30 =	vadd.s32 $0xFA0, v1;
	v31 =	vadd.s32 $0xC80, v9;
	v32 =	vadd.s32 $0x640, v10;
	v16 =	vld.idx.msk [tilespmem:v16+s2+$0x0], $0xffff  }
0x38: {  	v33 =	vadd.s32 $0xFA0, v9;
	v34 =	vadd.s32 $0x15E0, v10;
	v35 =	vadd.s32 $0x12C0, v9;
	v17 =	vld.idx.msk [tilespmem:v17+s2+$0x0], $0xffff  }
0x39: {  	v2 =	vcvt.s32.f32 v2;
	v3 =	vcvt.s32.f32 v3;
	v37 =	vadd.s32 $0x15E0, v9;
	v19 =	vld.idx.msk [tilespmem:v19+s2+$0x0], $0xffff  }
0x3a: {  	v38 =	vadd.s32 $0x1900, v1;
	v5 =	vcvt.s32.f32 v5;
	v40 =	vadd.s32 $0x1900, v10;
	v20 =	vld.idx.msk [tilespmem:v20+s2+$0x0], $0xffff  }
0x3b: {  	v41 =	vadd.s32 $0x1900, v9;
	v42 =	vadd.s32 $0x1C20, v10;
	v18 =	vcvt.s32.f32 v18;
	v27 =	vld.idx.msk [tilespmem:v27+s2+$0x0], $0xffff  }
0x3c: {  	v43 =	vadd.s32 $0x1C20, v9;
	v31 =	vld.idx.msk [tilespmem:v31+s2+$0x0], $0xffff;
	v13 =	vmul.f32 v11, v13;
	v6 =	vmul.f32 v7, v6  }
0x3d: {  	v45 =	vadd.s32 $0x1F40, v0;
	v28 =	vld.idx.msk [tilespmem:v28+s2+$0x0], $0xffff;
	v8 =	vmul.f32 v11, v8;
	v12 =	vmul.f32 v7, v12  }
0x3e: {  	v46 =	vadd.s32 $0x1F40, v1;
	v30 =	vld.idx.msk [tilespmem:v30+s2+$0x0], $0xffff;
	v4 =	vmul.f32 v11, v4;
	v7 =	vmul.f32 v7, v14  }
0x3f: {  	v24 =	vcvt.s32.f32 v24;
	v14 =	vld.idx.msk [tilespmem:v23+s2+$0x0], $0xffff;
	v6 =	vadd.f32 v6, v13;
	v8 =	vadd.f32 v12, v8  }
0x40: {  	v29 =	vcvt.s32.f32 v29;
	v48 =	vadd.s32 $0x1F40, v10;
	v13 =	vld.idx.msk [tilespmem:v21+s2+$0x0], $0xffff;
	v4 =	vadd.f32 v7, v4  }
0x41: {  	v59 =	vadd.s32 $0x1F40, v9;
	v7 =	vld.idx.msk [tilespmem:v22+s2+$0x0], $0xffff;
	v12 =	vadd.f32 v6, v15;
	v11 =	vadd.f32 v8, v16  }
0x42: {  	v49 =	vadd.s32 $0x2260, v1;
	v60 =	vmul.f32 v18, v39;
	v6 =	vld.idx.msk [tilespmem:v25+s2+$0x0], $0xffff;
	v25 =	vadd.s32 $0x1C20, v0  }
0x43: {  	v16 =	vld.idx.msk [tilespmem:v26+s2+$0x0], $0xffff;
	v17 =	vadd.f32 v4, v17;
	v4 =	vmul.f32 v12, v12;
	v26 =	vmul.f32 v11, v11  }
0x44: {  	v32 =	vld.idx.msk [tilespmem:v32+s2+$0x0], $0xffff;
	v23 =	vadd.s32 $0xFA0, v10;
	v19 =	vmul.f32 v2, v19;
	v20 =	vmul.f32 v3, v20  }
0x45: {  	v33 =	vld.idx.msk [tilespmem:v33+s2+$0x0], $0xffff;
	v21 =	vadd.s32 $0x640, v9;
	v4 =	vadd.f32 v26, v4;
	v26 =	vmul.f32 v17, v17  }
0x46: {  	v61 =	vld.idx.msk [tilespmem:v34+s2+$0x0], $0xffff;
	v22 =	vadd.s32 $0x12C0, v1;
	v8 =	vadd.s32 $0x15E0, v1;
	v14 =	vmul.f32 v2, v14  }
0x47: {  	v62 =	vld.idx.msk [tilespmem:v35+s2+$0x0], $0xffff;
	v15 =	vadd.s32 $0x12C0, v10;
	v2 =	vmul.f32 v2, v30;
	v4 =	vadd.f32 v26, v4  }
0x48: {  	v13 =	vmul.f32 v5, v13;
	v14 =	vadd.f32 v14, v20;
	v7 =	vmul.f32 v18, v7;
	v25 =	vld.idx.msk [tilespmem:v25+s2+$0x0], $0xffff  }
0x49: {  	v23 =	vld.idx.msk [tilespmem:v23+s2+$0x0], $0xffff;
	v18 =	vmul.f32 v18, v32;
	v6 =	vmul.f32 v5, v6;
	v4 =	vadd.f32 $9.999999960e-13, v4  }
0x4a: {  	v21 =	vld.idx.msk [tilespmem:v21+s2+$0x0], $0xffff;
	v16 =	vmul.f32 v24, v16;
	v26 =	vadd.s32 $0x1C20, v1;
	v1 =	vmul.f32 v29, v27  }
0x4b: {  	v8 =	vld.idx.msk [tilespmem:v8+s2+$0x0], $0xffff;
	v27 =	vmul.f32 v24, v31;
	v47 =	vshrl.u32 v4, $0x1;
	v4 =	vmul.f32 $5.000000000e-01, v4  }
0x4c: {  	s25 =	simm.s32 $0x45A0;
	v22 =	vld.idx.msk [tilespmem:v22+s2+$0x0], $0xffff;
	v6 =	vadd.f32 v6, v7;
	v7 =	vmul.f32 v3, v36;
	v47 =	vsub.s32 $0x5F3759DF, v47  }
0x4d: {  	v27 =	vadd.f32 v27, v1;
	v1 =	vmul.f32 v29, v44;
	[tilespmem:s25+$0xFFFFF810] =	vst v25;
	v25 =	vmul.f32 v47, v4  }
0x4e: {  	v15 =	vld.idx.msk [tilespmem:v15+s2+$0x0], $0xffff;
	v13 =	vadd.f32 v13, v60;
	v5 =	vmul.f32 v5, v23;
	v24 =	vmul.f32 v24, v33  }
0x4f: {  	v23 =	vld.idx.msk [tilespmem:v37+s2+$0x0], $0xffff;
	v7 =	vadd.f32 v19, v7;
	v16 =	vadd.f32 v16, v1;
	v25 =	vmul.f32 v47, v25  }
0x50: {  	v19 =	vmul.f32 v3, v28;
	v1 =	vadd.f32 v14, v8;
	v14 =	vadd.f32 v5, v18;
	v18 =	vld.idx.msk [tilespmem:v40+s2+$0x0], $0xffff  }
0x51: {  	v21 =	vmul.f32 v29, v21;
	v3 =	vadd.f32 v7, v22;
	v7 =	vld.idx.msk [tilespmem:v38+s2+$0x0], $0xffff;
	v25 =	vsub.f32 $1.500000000e+00, v25  }
0x52: {  	v63 =	vadd.s32 $0x2260, v0;
	v0 =	vadd.f32 v6, v61;
	v20 =	vld.idx.msk [tilespmem:v45+s2+$0x0], $0xffff;
	v8 =	vadd.f32 v2, v19  }
0x53: {  	v19 =	vadd.f32 v24, v21;
	v24 =	vld.idx.msk [tilespmem:v41+s2+$0x0], $0xffff;
	v2 =	vadd.f32 v13, v15;
	v25 =	vmul.f32 v47, v25  }
0x54: {  	v15 =	vld.idx.msk [tilespmem:v26+s2+$0x0], $0xffff;
	v22 =	vmul.f32 v1, v1;
	v5 =	vadd.f32 v16, v62;
	v21 =	vmul.f32 v3, v3  }
0x55: {  	v6 =	vadd.f32 v27, v23;
	v23 =	vmul.f32 v0, v0;
	v4 =	vmul.f32 v25, v4  }
0x56: {  	v26 =	vmul.f32 v5, v5;
	v16 =	vadd.f32 v22, v21;
	v22 =	vld.idx.msk [tilespmem:v42+s2+$0x0], $0xffff;
	v8 =	vadd.f32 v8, v7  }
0x57: {  	v27 =	vld.idx.msk [tilespmem:v43+s2+$0x0], $0xffff;
	v21 =	vmul.f32 v2, v2;
	v13 =	vmul.f32 v4, v25;
	v4 =	vadd.f32 v14, v18  }
0x58: {  	[tilespmem:s25+$0x10] =	vst v20;
	v7 =	vadd.f32 v19, v24;
	v14 =	vmul.f32 v6, v6;
	v18 =	vmul.f32 v8, v8  }
0x59: {  	[tilespmem:s25+$0xFFFFF7E0] =	vst v15;
	v20 =	vadd.f32 v23, v21;
	v13 =	vsub.f32 $1.500000000e+00, v13;
	v21 =	vmul.f32 v4, v4  }
0x5a: {  	v19 =	vld.idx.msk [tilespmem:v63+s2+$0x0], $0xffff;
	v14 =	vadd.f32 v14, v26;
	v15 =	vadd.f32 v18, v16;
	v16 =	vmul.f32 v7, v7  }
0x5b: {  	v23 =	vadd.s32 $0x2260, v10;
	[tilespmem:s25+$0xFFFFF7F0] =	vst v22;
	v18 =	vld.idx.msk [tilespmem:v46+s2+$0x0], $0xffff;
	v24 =	vmul.f32 v13, v25;
	v10 =	vadd.f32 v21, v20  }
0x5c: {  	v9 =	vadd.s32 $0x2260, v9;
	[tilespmem:s25+$0xFFFFF800] =	vst v27;
	v20 =	vld.idx.msk [tilespmem:v48+s2+$0x0], $0xffff;
	v15 =	vadd.f32 $9.999999960e-13, v15;
	v14 =	vadd.f32 v16, v14  }
0x5d: {  	v25 =	vld.idx.msk [tilespmem:v59+s2+$0x0], $0xffff;
	v21 =	vmul.f32 v24, v17;
	v13 =	vmul.f32 v24, v12;
	v12 =	vadd.f32 $9.999999960e-13, v10  }
0x5e: {  	v16 =	vshrl.u32 v15, $0x1;
	v10 =	vmul.f32 $5.000000000e-01, v15;
	v15 =	vadd.f32 $9.999999960e-13, v14  }
0x5f: {  	[tilespmem:s25+$0x810] =	vst v19;
	v14 =	vsub.s32 $0x5F3759DF, v16;
	v16 =	vshrl.u32 v12, $0x1;
	v12 =	vmul.f32 $5.000000000e-01, v12  }
0x60: {  	[tilespmem:s25+$0xFFFFFFE0] =	vst v18;
	v17 =	vmul.f32 $5.000000000e-01, v15;
	v18 =	vsub.s32 $0x5F3759DF, v16;
	v16 =	vshrl.u32 v15, $0x1  }
0x61: {  	v19 =	vmul.f32 v14, v10;
	v15 =	vld.idx.msk [tilespmem:v49+s2+$0x0], $0xffff;
	[tilespmem:s25+$0xFFFFFFF0] =	vst v20;
	v26 =	vmul.f32 v18, v12;
	v22 =	vsub.s32 $0x5F3759DF, v16  }
0x62: {  	s28 =	simm.s32 $0x5DA0;
	v11 =	vmul.f32 v24, v11;
	[tilespmem:s25+$0x0] =	vst v25;
	v20 =	vld.idx.msk [tilespmem:v23+s2+$0x0], $0xffff;
	v16 =	vmul.f32 v22, v17  }
0x63: {  	s29 =	simm.s32 $0x0;
	s30 =	simm.s32 $0x2DE0;
	s26 =	simm.s32 $0x5DA0;
	[tilespmem:s28+$0x810] =	vst v21;
	v24 =	vmul.f32 v14, v19;
	v23 =	vld.idx.msk [tilespmem:v9+s2+$0x0], $0xffff;
	v21 =	vmul.f32 v18, v26  }
.LBB2_2:
0x64: {  	v9 =	vld [tilespmem:s30+$0xFFFFF810];
	v16 =	vmul.f32 v22, v16;
	[tilespmem:s28+$0xFFFFF810] =	vst v13  }
0x65: {  	v19 =	vld [tilespmem:s30+$0xFFFFF7F0];
	v13 =	vsub.f32 $1.500000000e+00, v24;
	v24 =	vsub.f32 $1.500000000e+00, v21;
	[tilespmem:s28+$0x10] =	vst v11  }
0x66: {  	v28 =	vld [tilespmem:s30+$0xFFFFF800];
	v11 =	vsub.f32 $1.500000000e+00, v16  }
0x67: {  	s29 =	sadd.s32 $0x40, s29;
	v16 =	vld [tilespmem:s30+$0xFFFFF7E0];
	v21 =	vmul.f32 v14, v13;
	[tilespmem:s25+$0x7E0] =	vst v15;
	v18 =	vmul.f32 v18, v24  }
0x68: {  	p0 =	slt.u32 s29, $0x7C0;
	v14 =	vld [tilespmem:s30+$0xFFFFFFE0];
	[tilespmem:s25+$0x7F0] =	vst v20;
	v13 =	vmul.f32 v22, v11  }
0x69: {  	v11 =	vld [tilespmem:s30+$0x7E0];
	v15 =	vadd.s32 $0x640, v9;
	v20 =	vmul.f32 v21, v10;
	v40 =	vmul.f32 v18, v12;
	[tilespmem:s25+$0x800] =	vst v23  }
0x6a: {  	v22 =	vadd.s32 $0x960, v9;
	v10 =	vld [tilespmem:s30+$0xFFFFFFF0];
	v12 =	vadd.s32 $0x960, v19;
	v41 =	vadd.s32 $0x320, v19  }
0x6b: {  	v24 =	vadd.s32 $0x320, v9;
	v42 =	vadd.s32 $0xC80, v19;
	v43 =	vadd.s32 $0x960, v28;
	v23 =	vld [tilespmem:s30+$0x10]  }
0x6c: {  	v26 =	vadd.s32 $0xC80, v9;
	v44 =	vadd.s32 $0x960, v16;
	v45 =	vadd.s32 $0x320, v16;
	v25 =	vld [tilespmem:s30+$0x810]  }
0x6d: {  	v27 =	vadd.s32 $0xFA0, v9;
	v47 =	vadd.s32 $0x320, v28;
	v46 =	vadd.s32 $0xC80, v16;
	v48 =	vld.idx.msk [tilespmem:v9+s2+$0x0], $0xffff  }
0x6e: {  	v51 =	vadd.s32 $0xC80, v28;
	v49 =	vadd.s32 $0x640, v16;
	v50 =	vadd.s32 $0xFA0, v16;
	v15 =	vld.idx.msk [tilespmem:v15+s2+$0x0], $0xffff  }
0x6f: {  	v38 =	vadd.s32 $0x12C0, v9;
	v52 =	vadd.s32 $0x640, v19;
	v39 =	vadd.s32 $0xFA0, v19;
	v22 =	vld.idx.msk [tilespmem:v22+s2+$0x0], $0xffff  }
0x70: {  	v37 =	vadd.s32 $0x640, v28;
	v34 =	vadd.s32 $0xFA0, v28;
	v53 =	vld.idx.msk [tilespmem:v24+s2+$0x0], $0xffff;
	v24 =	vadd.s32 $0x15E0, v9  }
0x71: {  	v32 =	vadd.s32 $0x12C0, v19;
	v35 =	vadd.s32 $0x12C0, v16;
	v33 =	vadd.s32 $0x15E0, v16;
	v54 =	vld.idx.msk [tilespmem:v26+s2+$0x0], $0xffff  }
0x72: {  	v56 =	vadd.s32 $0x1900, v9;
	v31 =	vadd.s32 $0x15E0, v19;
	v30 =	vadd.s32 $0x12C0, v28;
	v55 =	vld.idx.msk [tilespmem:v27+s2+$0x0], $0xffff  }
0x73: {  	v29 =	vadd.s32 $0x15E0, v28;
	v36 =	vcvt.s32.f32 v14;
	v57 =	vcvt.s32.f32 v11;
	v11 =	vld [tilespmem:s30+$0x7F0]  }
0x74: {  	v14 =	vcvt.s32.f32 v23;
	v26 =	vadd.s32 $0x1900, v16;
	v58 =	vcvt.s32.f32 v25;
	v59 =	vld.idx.msk [tilespmem:v38+s2+$0x0], $0xffff  }
0x75: {  	v25 =	vadd.s32 $0x1900, v28;
	v27 =	vadd.s32 $0x1900, v19;
	v38 =	vcvt.s32.f32 v10;
	v10 =	vld.idx.msk [tilespmem:v24+s2+$0x0], $0xffff  }
0x76: {  	v48 =	vmul.f32 v58, v48;
	v61 =	vmul.f32 v14, v22;
	v24 =	vadd.s32 $0x1C20, v16;
	v60 =	vld [tilespmem:s30+$0x0]  }
0x77: {  	v22 =	vadd.s32 $0x1C20, v19;
	v53 =	vmul.f32 v58, v53;
	v54 =	vmul.f32 v14, v54;
	v56 =	vld.idx.msk [tilespmem:v56+s2+$0x0], $0xffff  }
0x78: {  	v23 =	vadd.s32 $0x1C20, v28;
	v58 =	vmul.f32 v58, v15;
	v14 =	vmul.f32 v14, v55;
	v62 =	vld [tilespmem:s30+$0x800]  }
0x79: {  	v48 =	vadd.f32 v61, v48;
	v55 =	vcvt.s32.f32 v11;
	v53 =	vadd.f32 v54, v53;
	v44 =	vld.idx.msk [tilespmem:v44+s2+$0x0], $0xffff  }
0x7a: {  	v15 =	vadd.s32 $0x1F40, v16;
	v11 =	vadd.s32 $0x1F40, v19;
	v54 =	vadd.f32 v14, v58;
	v45 =	vld.idx.msk [tilespmem:v45+s2+$0x0], $0xffff  }
0x7b: {  	v14 =	vadd.f32 v48, v59;
	v10 =	vadd.f32 v53, v10;
	v46 =	vld.idx.msk [tilespmem:v46+s2+$0x0], $0xffff;
	v58 =	vcvt.s32.f32 v60  }
0x7c: {  	v20 =	vmul.f32 v20, v21;
	v53 =	vmul.f32 v13, v17;
	v48 =	vld.idx.msk [tilespmem:v12+s2+$0x0], $0xffff;
	v12 =	vadd.s32 $0x1F40, v28  }
0x7d: {  	v17 =	vadd.f32 v54, v56;
	v54 =	vmul.f32 v14, v14;
	v56 =	vmul.f32 v10, v10;
	v41 =	vld.idx.msk [tilespmem:v41+s2+$0x0], $0xffff  }
0x7e: {  	v60 =	vsub.f32 $1.500000000e+00, v20;
	v20 =	vmul.f32 v40, v18;
	v59 =	vcvt.s32.f32 v62;
	v42 =	vld.idx.msk [tilespmem:v42+s2+$0x0], $0xffff  }
0x7f: {  	v40 =	vld.idx.msk [tilespmem:v43+s2+$0x0], $0xffff;
	v43 =	vadd.f32 v56, v54;
	v54 =	vmul.f32 v17, v17;
	v56 =	vadd.s32 $0x1C20, v9  }
0x80: {  	v61 =	vsub.f32 $1.500000000e+00, v20;
	v44 =	vmul.f32 v36, v44;
	v45 =	vmul.f32 v57, v45;
	v47 =	vld.idx.msk [tilespmem:v47+s2+$0x0], $0xffff  }
0x81: {  	v53 =	vmul.f32 v53, v13;
	v46 =	vmul.f32 v36, v46;
	v51 =	vld.idx.msk [tilespmem:v51+s2+$0x0], $0xffff;
	v43 =	vadd.f32 v54, v43  }
0x82: {  	v20 =	vadd.s32 $0x2260, v16;
	v48 =	vmul.f32 v38, v48;
	v54 =	vld.idx.msk [tilespmem:v16+s2+$0x0], $0xffff;
	v16 =	vadd.s32 $0x2260, v19  }
0x83: {  	v45 =	vadd.f32 v46, v45;
	v41 =	vmul.f32 v55, v41;
	v46 =	vld.idx.msk [tilespmem:v19+s2+$0x0], $0xffff;
	v43 =	vadd.f32 $9.999999960e-13, v43  }
0x84: {  	v53 =	vsub.f32 $1.500000000e+00, v53;
	v42 =	vmul.f32 v38, v42;
	v19 =	vadd.s32 $0x2260, v28;
	v56 =	vld.idx.msk [tilespmem:v56+s2+$0x0], $0xffff  }
0x85: {  	v40 =	vmul.f32 v58, v40;
	v28 =	vld.idx.msk [tilespmem:v28+s2+$0x0], $0xffff;
	v62 =	vshrl.u32 v43, $0x1;
	v43 =	vmul.f32 $5.000000000e-01, v43  }
0x86: {  	v63 =	vadd.s32 $0x1F40, v9;
	v47 =	vmul.f32 v59, v47;
	v49 =	vld.idx.msk [tilespmem:v49+s2+$0x0], $0xffff;
	v62 =	vsub.s32 $0x5F3759DF, v62  }
0x87: {  	v41 =	vadd.f32 v42, v41;
	v42 =	vmul.f32 v58, v51;
	v50 =	vld.idx.msk [tilespmem:v50+s2+$0x0], $0xffff;
	v51 =	vmul.f32 v62, v43  }
0x88: {  	v21 =	vmul.f32 v60, v21;
	v54 =	vmul.f32 v57, v54;
	v52 =	vld.idx.msk [tilespmem:v52+s2+$0x0], $0xffff  }
0x89: {  	s25 =	sadd.s32 $0x40, s25;
	v46 =	vmul.f32 v55, v46;
	v42 =	vadd.f32 v42, v47;
	v39 =	vld.idx.msk [tilespmem:v39+s2+$0x0], $0xffff;
	v47 =	vmul.f32 v62, v51  }
0x8a: {  	v18 =	vmul.f32 v61, v18;
	v44 =	vadd.f32 v44, v54;
	v37 =	vld.idx.msk [tilespmem:v37+s2+$0x0], $0xffff;
	[tilespmem:s25+$0xFFFFF810] =	vst v56  }
0x8b: {  	v46 =	vadd.f32 v48, v46;
	v28 =	vmul.f32 v59, v28;
	v47 =	vsub.f32 $1.500000000e+00, v47;
	v48 =	vld.idx.msk [tilespmem:v63+s2+$0x0], $0xffff  }
0x8c: {  	v13 =	vmul.f32 v53, v13;
	v49 =	vmul.f32 v57, v49;
	v34 =	vld.idx.msk [tilespmem:v34+s2+$0x0], $0xffff  }
0x8d: {  	v9 =	vadd.s32 $0x2260, v9;
	v28 =	vadd.f32 v40, v28;
	v35 =	vld.idx.msk [tilespmem:v35+s2+$0x0], $0xffff;
	v40 =	vmul.f32 v62, v47  }
0x8e: {  	v36 =	vmul.f32 v36, v50;
	v47 =	vmul.f32 v55, v52;
	v33 =	vld.idx.msk [tilespmem:v33+s2+$0x0], $0xffff  }
0x8f: {  	v38 =	vmul.f32 v38, v39;
	v32 =	vld.idx.msk [tilespmem:v32+s2+$0x0], $0xffff;
	v39 =	vmul.f32 v40, v43  }
0x90: {  	v3 =	vmul.f32 v21, v3;
	v36 =	vadd.f32 v36, v49;
	v37 =	vmul.f32 v59, v37;
	v31 =	vld.idx.msk [tilespmem:v31+s2+$0x0], $0xffff  }
0x91: {  	v38 =	vadd.f32 v38, v47;
	v30 =	vld.idx.msk [tilespmem:v30+s2+$0x0], $0xffff;
	v39 =	vmul.f32 v39, v40;
	[tilespmem:s25+$0x10] =	vst v48  }
0x92: {  	v43 =	vmul.f32 v21, v1;
	v34 =	vmul.f32 v58, v34;
	v9 =	vld.idx.msk [tilespmem:v9+s2+$0x0], $0xffff;
	[tilespmem:s28+$0xFFFFF7E0] =	vst v3  }
0x93: {  	v21 =	vmul.f32 v21, v8;
	v3 =	vadd.f32 v44, v35;
	v29 =	vld.idx.msk [tilespmem:v29+s2+$0x0], $0xffff;
	v35 =	vsub.f32 $1.500000000e+00, v39  }
0x94: {  	v1 =	vadd.f32 v45, v33;
	v33 =	vmul.f32 v18, v2;
	v8 =	vld.idx.msk [tilespmem:v26+s2+$0x0], $0xffff;
	v26 =	vadd.f32 v34, v37  }
0x95: {  	v34 =	vmul.f32 v3, v3;
	v2 =	vadd.f32 v46, v32;
	v27 =	vld.idx.msk [tilespmem:v27+s2+$0x0], $0xffff;
	v32 =	vmul.f32 v35, v40  }
0x96: {  	v37 =	vmul.f32 v18, v0;
	v35 =	vmul.f32 v1, v1;
	v0 =	vadd.f32 v41, v31;
	v25 =	vld.idx.msk [tilespmem:v25+s2+$0x0], $0xffff  }
0x97: {  	v31 =	vmul.f32 v2, v2;
	v28 =	vadd.f32 v28, v30;
	v24 =	vld.idx.msk [tilespmem:v24+s2+$0x0], $0xffff;
	v17 =	vmul.f32 v32, v17  }
0x98: {  	s28 =	sadd.s32 $0x40, s28;
	v30 =	vadd.f32 v35, v34;
	v34 =	vmul.f32 v0, v0;
	v22 =	vld.idx.msk [tilespmem:v22+s2+$0x0], $0xffff;
	[tilespmem:s25+$0x810] =	vst v9  }
0x99: {  	v9 =	vadd.f32 v42, v29;
	v29 =	vmul.f32 v28, v28;
	v23 =	vld.idx.msk [tilespmem:v23+s2+$0x0], $0xffff;
	[tilespmem:s28+$0x810] =	vst v17  }
0x9a: {  	v18 =	vmul.f32 v18, v4;
	v8 =	vadd.f32 v36, v8;
	v17 =	vadd.f32 v34, v31;
	[tilespmem:s26+$0xFFFFFFE0] =	vst v43  }
0x9b: {  	v4 =	vadd.f32 v38, v27;
	v27 =	vmul.f32 v9, v9;
	[tilespmem:s26+$0x7E0] =	vst v21;
	v21 =	vmul.f32 v13, v5  }
0x9c: {  	v31 =	vmul.f32 v8, v8;
	v25 =	vadd.f32 v26, v25;
	v26 =	vmul.f32 v13, v6;
	[tilespmem:s26+$0xFFFFF7F0] =	vst v33  }
0x9d: {  	v33 =	vmul.f32 v4, v4;
	[tilespmem:s25+$0xFFFFF7E0] =	vst v24;
	v24 =	vadd.f32 v27, v29;
	v27 =	vmul.f32 v13, v7  }
0x9e: {  	v5 =	vmov v28;
	v29 =	vadd.f32 v31, v30;
	v15 =	vld.idx.msk [tilespmem:v15+s2+$0x0], $0xffff;
	[tilespmem:s25+$0xFFFFF7F0] =	vst v22;
	v22 =	vmul.f32 v25, v25  }
0x9f: {  	v6 =	vmov v9;
	v13 =	vmul.f32 v32, v14;
	v17 =	vadd.f32 v33, v17;
	v28 =	vld.idx.msk [tilespmem:v11+s2+$0x0], $0xffff;
	[tilespmem:s25+$0xFFFFF800] =	vst v23  }
0xa0: {  	v9 =	vadd.f32 $9.999999960e-13, v29;
	v11 =	vmul.f32 v32, v10;
	v14 =	vadd.f32 v22, v24;
	v23 =	vld.idx.msk [tilespmem:v12+s2+$0x0], $0xffff;
	[tilespmem:s26+$0xFFFFFFF0] =	vst v37  }
0xa1: {  	v7 =	vmov v25;
	v12 =	vadd.f32 $9.999999960e-13, v17;
	[tilespmem:s26+$0x7F0] =	vst v18  }
0xa2: {  	v17 =	vshrl.u32 v9, $0x1;
	v10 =	vmul.f32 $5.000000000e-01, v9;
	v9 =	vadd.f32 $9.999999960e-13, v14;
	[tilespmem:s26+$0xFFFFF800] =	vst v21  }
.Ltmp0:
0xa3: {  	v14 =	vsub.s32 $0x5F3759DF, v17;
	v17 =	vshrl.u32 v12, $0x1;
	v12 =	vmul.f32 $5.000000000e-01, v12;
	[tilespmem:s26+$0x0] =	vst v26;
	(pc) =	sbr.rel @p0 .LBB2_2-.Ltmp0, $4  }
0xa4: {  	v18 =	vsub.s32 $0x5F3759DF, v17;
	[tilespmem:s25+$0xFFFFFFE0] =	vst v15;
	v21 =	vshrl.u32 v9, $0x1;
	v17 =	vmul.f32 $5.000000000e-01, v9  }
0xa5: {  	v9 =	vmul.f32 v14, v10;
	v25 =	vmul.f32 v18, v12;
	v15 =	vld.idx.msk [tilespmem:v20+s2+$0x0], $0xffff;
	[tilespmem:s25+$0xFFFFFFF0] =	vst v28;
	v22 =	vsub.s32 $0x5F3759DF, v21  }
0xa6: {  	v20 =	vld.idx.msk [tilespmem:v16+s2+$0x0], $0xffff;
	v16 =	vmul.f32 v22, v17;
	[tilespmem:s25+$0x0] =	vst v23  }
0xa7: {  	s30 =	sadd.s32 $0x40, s30;
	v24 =	vmul.f32 v14, v9;
	v21 =	vmul.f32 v18, v25;
	v23 =	vld.idx.msk [tilespmem:v19+s2+$0x0], $0xffff;
	[tilespmem:s26+$0x800] =	vst v27;
	s26 =	smov.u32 s28  }
0xa8: {  	_ = 	snop  }
0xa9: {  	v9 =	vsub.f32 $1.500000000e+00, v24  }
0xaa: {  	v56 =	vsub.f32 $1.500000000e+00, v21  }
0xab: {  	v9 =	vmul.f32 v14, v9  }
0xac: {  	v14 =	vmul.f32 v18, v56  }
0xad: {  	v16 =	vmul.f32 v22, v16;
	v10 =	vmul.f32 v9, v10  }
0xae: {  	v12 =	vmul.f32 v14, v12  }
0xaf: {  	v16 =	vsub.f32 $1.500000000e+00, v16;
	v10 =	vmul.f32 v10, v9  }
0xb0: {  	v12 =	vmul.f32 v12, v14  }
0xb1: {  	v16 =	vmul.f32 v22, v16;
	v10 =	vsub.f32 $1.500000000e+00, v10  }
0xb2: {  	[tilespmem:s28+$0xFFFFF810] =	vst v13;
	v58 =	vsub.f32 $1.500000000e+00, v12  }
0xb3: {  	[tilespmem:s28+$0x10] =	vst v11;
	v57 =	vmul.f32 v16, v17;
	v9 =	vmul.f32 v10, v9  }
0xb4: {  	[tilespmem:s25+$0x7E0] =	vst v15;
	v10 =	vmul.f32 v58, v14  }
0xb5: {  	[tilespmem:s25+$0x7F0] =	vst v20;
	v11 =	vmul.f32 v57, v16;
	v3 =	vmul.f32 v9, v3  }
0xb6: {  	[tilespmem:s25+$0x800] =	vst v23;
	v2 =	vmul.f32 v10, v2  }
0xb7: {  	v11 =	vsub.f32 $1.500000000e+00, v11;
	v0 =	vmul.f32 v10, v0;
	[tilespmem:s28+$0xFFFFF7E0] =	vst v3  }
0xb8: {  	v61 =	vmul.f32 v10, v4;
	[tilespmem:s26+$0xFFFFF7F0] =	vst v2  }
0xb9: {  	v60 =	vmul.f32 v11, v16;
	v1 =	vmul.f32 v9, v1;
	[tilespmem:s26+$0xFFFFFFF0] =	vst v0  }
0xba: {  	v59 =	vmul.f32 v9, v8;
	[tilespmem:s26+$0x7F0] =	vst v61  }
0xbb: {  	v62 =	vmul.f32 v60, v5;
	[tilespmem:s26+$0xFFFFFFE0] =	vst v1  }
0xbc: {  	v63 =	vmul.f32 v60, v6;
	[tilespmem:s26+$0x7E0] =	vst v59  }
0xbd: {  	v1 =	vmul.f32 v60, v7;
	[tilespmem:s26+$0xFFFFF800] =	vst v62  }
0xbe: {  	[tilespmem:s26+$0x0] =	vst v63  }
0xbf: {  	[tilespmem:s26+$0x800] =	vst v1  }
0xc0: {  	[hbm4b:s7+s2] =	stream.linear.scatter [tilespmem:s18], [sflag:$0x1], $0x800, $0x38;
	[tilespmem:$0x6D80] =	vst v63  }
0xc1: {  	_ =	swait.ge [sflag:s14], $0x800  }
0xc2: {  	[sflag:s14] =	ssyncset.done $0x0  }
0xc3: {  	[sflag:s14] =	ssyncadd.s32 $0xFFFFF800  }
0xc4: {  	[hbm4b:s8+s2] =	stream.linear.scatter [tilespmem:s19], [sflag:$0x1], $0x800, $0x38;
	[tilespmem:$0x6D80] =	vst v63  }
0xc5: {  	_ =	swait.ge [sflag:s14], $0x800  }
0xc6: {  	[sflag:s14] =	ssyncset.done $0x0  }
0xc7: {  	[sflag:s14] =	ssyncadd.s32 $0xFFFFF800  }
0xc8: {  	[hbm4b:s9+s2] =	stream.linear.scatter [tilespmem:s20], [sflag:$0x1], $0x800, $0x38;
	[tilespmem:$0x6D80] =	vst v63  }
0xc9: {  	_ =	swait.ge [sflag:s14], $0x800  }
0xca: {  	[sflag:s14] =	ssyncset.done $0x0  }
0xcb: {  	[sflag:s14] =	ssyncadd.s32 $0xFFFFF800  }
0xcc: {  	[hbm4b:s10+s2] =	stream.linear.scatter [tilespmem:s21], [sflag:$0x1], $0x800, $0x38;
	[tilespmem:$0x6D80] =	vst v63  }
0xcd: {  	_ =	swait.ge [sflag:s14], $0x800  }
0xce: {  	[sflag:s14] =	ssyncset.done $0x0  }
0xcf: {  	[sflag:s14] =	ssyncadd.s32 $0xFFFFF800  }
0xd0: {  	[hbm4b:s11+s2] =	stream.linear.scatter [tilespmem:s22], [sflag:$0x1], $0x800, $0x38;
	[tilespmem:$0x6D80] =	vst v63  }
0xd1: {  	s24 =	sadd.s32 $0x1, s24;
	_ =	swait.ge [sflag:s14], $0x800  }
0xd2: {  	p0 =	sne.s32 s24, s13;
	[sflag:s14] =	ssyncset.done $0x0  }
.Ltmp1:
0xd3: {  	[sflag:s14] =	ssyncadd.s32 $0xFFFFF800;
	(pc) =	sbr.rel @p0 .LBB2_1-.Ltmp1, $4  }
0xd4: {  	[hbm4b:s12+s2] =	stream.linear.scatter [tilespmem:s23], [sflag:$0x1], $0x800, $0x38;
	[tilespmem:$0x6D80] =	vst v63  }
0xd5: {  	_ =	swait.ge [sflag:s14], $0x800  }
0xd6: {  	[sflag:s14] =	ssyncset.done $0x0  }
0xd7: {  	[sflag:s14] =	ssyncadd.s32 $0xFFFFF800  }
0xd8: {  	_ =	sfence.sel $0x180000  }
0xd9: {  	[bflag:$0x0] =	sbarrier.arrive $0xFFFF  }
0xda: {  	p0 =	sne.s32 s3, $0x0;
	_ =	strace $0x90000047  }
0xdb: {  	s0 =	sadd.s32 @!p0 $0x100000, s0;
	[bflag:$0x2] =	sbarrier.arrive $0xFFFF  }
0xdc: {  	[sflag:s0] =	ssyncadd.tile.s32 @!p0 $0x1;
	_ =	shalt  }
.Lfunc_end2:
_tile_overlayer_lowered:
.L_overlay_start_2:
0xdd: {  	(tag) =	ssettag $0x2  }
0xde: {  	s0 =	rddreg [dreg:$0x0];
	s2 =	stileid.u32  }
0xdf: {  	s1 =	rddreg [dreg:$0x1];
	p0 =	sne.s32 s2, $0x0  }
0xe0: {  	s3 =	rddreg [dreg:$0x2];
	[bflag:$0x3] =	sbarrier.arrive $0xFFFF;
	s2 =	simm.s32 @!p0 $0x1C01  }
0xe1: {  	[timem:s3], [sflag:s2] =	dma.local @!p0 [hbm:s0], s1  }
0xe2: {  	s0 =	simm.s32 @!p0 $0x1  }
0xe3: {  	_ =	swait.ge @!p0 [sflag:s0], s1  }
0xe4: {  	s1 =	ssub.s32 @!p0 $0x0, s1;
	[sflag:s0] =	ssyncset.done @!p0 $0x0  }
0xe5: {  	[sflag:s0] =	ssyncadd.s32 @!p0 s1  }
0xe6: {  	[bflag:$0x3] =	sbarrier.arrive $0xFFFF  }
0xe7: {  	_ =	shalt  }

</sc_bundles>
